<compile_context>
chip_gen: v7x
topology: tpu7x:2x2x1
jax: 0.10.2.dev20260603
libtpu: 0.0.44.dev20260713+nightly
codegen_flags: <defaults>
</compile_context>

<pallas_src>
import functools

import jax
import jax.numpy as jnp
from jax import lax
from jax.experimental import pallas as pl
from jax.experimental.pallas import tpu as pltpu
from jax.experimental.pallas import tpu_sc as plsc

NUM_POS = 17
EMB_DIM = 10
BATCH = 16384

NUM_CORES = 1
NUM_SUBCORES = 16
NUM_WORKERS = NUM_CORES * NUM_SUBCORES
B_PER_W = BATCH // NUM_WORKERS
LANES = 16
OUT_PER_W = B_PER_W * EMB_DIM
GROUPS = B_PER_W // LANES
OUT_CHUNKS = 1
GROUPS_PER_CHUNK = GROUPS // OUT_CHUNKS

_MESH = plsc.VectorSubcoreMesh(core_axis_name="c", subcore_axis_name="s",
                               num_cores=1)


@functools.partial(
    pl.kernel,
    out_type=jax.ShapeDtypeStruct((BATCH, EMB_DIM), jnp.float32),
    mesh=_MESH,
    scratch_types=[
        pltpu.VMEM((B_PER_W,), jnp.int32),
        pltpu.VMEM((NUM_POS, EMB_DIM), jnp.float32),
        pltpu.VMEM((B_PER_W, EMB_DIM), jnp.float32),
        pltpu.SemaphoreType.DMA,
        pltpu.SemaphoreType.DMA,
    ],
    compiler_params=pltpu.CompilerParams(
        use_tc_tiling_on_sc=False, needs_layout_passes=False),
)
def _emb_lookup(idx_hbm, table_hbm, out_hbm, idx_v, table_v, out_v,
                in_sem, out_sem):
    wid = lax.axis_index("s") * NUM_CORES + lax.axis_index("c")
    base = wid * B_PER_W
    idx_cp = pltpu.async_copy(idx_hbm.at[pl.ds(base, B_PER_W)], idx_v, in_sem)
    tab_cp = pltpu.async_copy(table_hbm, table_v, in_sem)
    idx_cp.wait()
    tab_cp.wait()
    lane = lax.iota(jnp.int32, LANES)
    rpat = []
    cpat = []
    for k in range(EMB_DIM):
        p = lane + (k * LANES)
        r = lax.shift_right_logical(p * 6554, 16)
        rpat.append(r)
        cpat.append(p - r * EMB_DIM)

    out_cps = []
    for c in range(OUT_CHUNKS):
        @plsc.parallel_loop(c * GROUPS_PER_CHUNK, (c + 1) * GROUPS_PER_CHUNK,
                            1, unroll=8)
        def _group(g):
            bvec = idx_v[pl.ds(g * LANES, LANES)]
            gb = g * LANES
            for k in range(EMB_DIM):
                rows = jnp.take_along_axis(bvec, rpat[k], axis=0)
                vals = plsc.load_gather(table_v, [rows, cpat[k]])
                plsc.store_scatter(out_v, [rpat[k] + gb, cpat[k]], vals)

        out_cps.append(pltpu.async_copy(
            out_v.at[pl.ds(c * (B_PER_W // OUT_CHUNKS),
                           B_PER_W // OUT_CHUNKS)],
            out_hbm.at[pl.ds(wid * B_PER_W + c * (B_PER_W // OUT_CHUNKS),
                             B_PER_W // OUT_CHUNKS)],
            out_sem))
    for cp in out_cps:
        cp.wait()


def kernel(pos_indices, pos_emb_table):
    return _emb_lookup(pos_indices, pos_emb_table)

# --- scband reference (transcript-rebuilt; emitter-appended) ---
"""Pipeline reference for scband-posembedding-57183194579309 (READ-ONLY COPY).

The authoritative reference and input builder live on the scoring server;
editing this copy changes nothing except your own understanding.
"""

import jax, jax.numpy as jnp
import numpy as np

NUM_POS = 17  # universal POS tagset size
EMB_DIM = 10
BATCH = 16384

def setup_inputs(seed: int = 0) -> dict:
    key = jax.random.key(seed)
    k1, k2 = jax.random.split(key)
    pos_indices = jax.random.randint(k1, (BATCH,), 0, NUM_POS, dtype=jnp.int64 if jax.config.jax_enable_x64 else jnp.int32)
    # Embedding table initialized RandomNormal(mean=0, stddev=1.0) per the Keras module
    pos_emb_table = jax.random.normal(k2, (NUM_POS, EMB_DIM), dtype=jnp.float32)
    return {"pos_indices": pos_indices, "pos_emb_table": pos_emb_table}

def reference(pos_indices, pos_emb_table):
    # POSEmbedding.call: map POS strings to ids (done upstream here), then Embedding lookup
    return jnp.take(pos_emb_table, pos_indices, axis=0)

if __name__ == "__main__":
    import jax
    _d = setup_inputs()
    print(jax.jit(kernel)(*tuple(_d.values())))

</pallas_src>

<mosaic_0001>
#map = affine_map<(d0, d1) -> (0)>
#map1 = affine_map<(d0, d1) -> (0, 0)>
module attributes {stable_mosaic.version = 14 : i64} {
  func.func @_emb_lookup(%arg0: i32, %arg1: i32, %arg2: memref<16384xi32, #tpu.memory_space<hbm>>, %arg3: memref<17x10xf32, #tpu.memory_space<hbm>>, %arg4: memref<16384x10xf32, #tpu.memory_space<hbm>>, %arg5: memref<1024xi32, #tpu.memory_space<vmem>>, %arg6: memref<17x10xf32, #tpu.memory_space<vmem>>, %arg7: memref<1024x10xf32, #tpu.memory_space<vmem>>, %arg8: memref<!tpu.dma_semaphore, #tpu.memory_space<semaphore_mem>>, %arg9: memref<!tpu.dma_semaphore, #tpu.memory_space<semaphore_mem>>) attributes {dimension_semantics = [#tpu.dimension_semantics<core_parallel>, #tpu.dimension_semantics<subcore_parallel>], iteration_bounds = array<i64: 1, 16>, scalar_prefetch = 0 : i64, scratch_operands = 5 : i64, tpu.core_type = #tpu.core_type<sc_vector_subcore>, window_params = [{transform_indices = #map}, {transform_indices = #map1}, {transform_indices = #map1}]} {
    %mul3A = arith.constant 1 : i32
    %mul3A_0 = arith.muli %arg1, %mul3A : i32
    %add3A = arith.addi %mul3A_0, %arg0 : i32
    %mul3A_1 = arith.constant 1024 : i32
    %mul3A_2 = arith.muli %add3A, %mul3A_1 : i32
    %dma_start3A = tpu.memref_slice %arg2[%mul3A_2] : memref<16384xi32, #tpu.memory_space<hbm>> -> memref<1024xi32, #tpu.memory_space<hbm>>
    %dma_start3A_3 = tpu.memref_slice %arg2[%mul3A_2] : memref<16384xi32, #tpu.memory_space<hbm>> -> memref<1024xi32, #tpu.memory_space<hbm>>
    tpu.enqueue_dma source(%dma_start3A_3 : memref<1024xi32, #tpu.memory_space<hbm>>) target(%arg5 : memref<1024xi32, #tpu.memory_space<vmem>>) target_semaphore(%arg8 : memref<!tpu.dma_semaphore, #tpu.memory_space<semaphore_mem>>)
    tpu.enqueue_dma source(%arg3 : memref<17x10xf32, #tpu.memory_space<hbm>>) target(%arg6 : memref<17x10xf32, #tpu.memory_space<vmem>>) target_semaphore(%arg8 : memref<!tpu.dma_semaphore, #tpu.memory_space<semaphore_mem>>)
    %dma_wait3A = tpu.memref_slice %arg2[%mul3A_2] : memref<16384xi32, #tpu.memory_space<hbm>> -> memref<1024xi32, #tpu.memory_space<hbm>>
    %dma_wait3A_4 = tpu.memref_slice %arg2[%mul3A_2] : memref<16384xi32, #tpu.memory_space<hbm>> -> memref<1024xi32, #tpu.memory_space<hbm>>
    tpu.wait_dma2 semaphore(%arg8 : memref<!tpu.dma_semaphore, #tpu.memory_space<semaphore_mem>>) src(%dma_wait3A_4 : memref<1024xi32, #tpu.memory_space<hbm>>) dst(%arg5 : memref<1024xi32, #tpu.memory_space<vmem>>)
    tpu.wait_dma2 semaphore(%arg8 : memref<!tpu.dma_semaphore, #tpu.memory_space<semaphore_mem>>) src(%arg3 : memref<17x10xf32, #tpu.memory_space<hbm>>) dst(%arg6 : memref<17x10xf32, #tpu.memory_space<vmem>>)
    %iota3A = tpu.iota {dimensions = array<i32: 0>} : vector<16xi32>
    %add3A_5 = arith.constant 0 : i32
    %add3A_6 = vector.broadcast %add3A_5 : i32 to vector<16xi32>
    %add3A_7 = arith.addi %iota3A, %add3A_6 : vector<16xi32>
    %mul3A_8 = arith.constant 6554 : i32
    %mul3A_9 = vector.broadcast %mul3A_8 : i32 to vector<16xi32>
    %mul3A_10 = arith.muli %add3A_7, %mul3A_9 : vector<16xi32>
    %shift_right_logical3A = arith.constant 16 : i32
    %shift_right_logical3A_11 = vector.broadcast %shift_right_logical3A : i32 to vector<16xi32>
    %shift_right_logical3A_12 = arith.shrui %mul3A_10, %shift_right_logical3A_11 : vector<16xi32>
    %mul3A_13 = arith.constant 10 : i32
    %mul3A_14 = vector.broadcast %mul3A_13 : i32 to vector<16xi32>
    %mul3A_15 = arith.muli %shift_right_logical3A_12, %mul3A_14 : vector<16xi32>
    %sub3A = arith.subi %add3A_7, %mul3A_15 : vector<16xi32>
    %add3A_16 = arith.constant 16 : i32
    %add3A_17 = vector.broadcast %add3A_16 : i32 to vector<16xi32>
    %add3A_18 = arith.addi %iota3A, %add3A_17 : vector<16xi32>
    %mul3A_19 = arith.constant 6554 : i32
    %mul3A_20 = vector.broadcast %mul3A_19 : i32 to vector<16xi32>
    %mul3A_21 = arith.muli %add3A_18, %mul3A_20 : vector<16xi32>
    %shift_right_logical3A_22 = arith.constant 16 : i32
    %shift_right_logical3A_23 = vector.broadcast %shift_right_logical3A_22 : i32 to vector<16xi32>
    %shift_right_logical3A_24 = arith.shrui %mul3A_21, %shift_right_logical3A_23 : vector<16xi32>
    %mul3A_25 = arith.constant 10 : i32
    %mul3A_26 = vector.broadcast %mul3A_25 : i32 to vector<16xi32>
    %mul3A_27 = arith.muli %shift_right_logical3A_24, %mul3A_26 : vector<16xi32>
    %sub3A_28 = arith.subi %add3A_18, %mul3A_27 : vector<16xi32>
    %add3A_29 = arith.constant 32 : i32
    %add3A_30 = vector.broadcast %add3A_29 : i32 to vector<16xi32>
    %add3A_31 = arith.addi %iota3A, %add3A_30 : vector<16xi32>
    %mul3A_32 = arith.constant 6554 : i32
    %mul3A_33 = vector.broadcast %mul3A_32 : i32 to vector<16xi32>
    %mul3A_34 = arith.muli %add3A_31, %mul3A_33 : vector<16xi32>
    %shift_right_logical3A_35 = arith.constant 16 : i32
    %shift_right_logical3A_36 = vector.broadcast %shift_right_logical3A_35 : i32 to vector<16xi32>
    %shift_right_logical3A_37 = arith.shrui %mul3A_34, %shift_right_logical3A_36 : vector<16xi32>
    %mul3A_38 = arith.constant 10 : i32
    %mul3A_39 = vector.broadcast %mul3A_38 : i32 to vector<16xi32>
    %mul3A_40 = arith.muli %shift_right_logical3A_37, %mul3A_39 : vector<16xi32>
    %sub3A_41 = arith.subi %add3A_31, %mul3A_40 : vector<16xi32>
    %add3A_42 = arith.constant 48 : i32
    %add3A_43 = vector.broadcast %add3A_42 : i32 to vector<16xi32>
    %add3A_44 = arith.addi %iota3A, %add3A_43 : vector<16xi32>
    %mul3A_45 = arith.constant 6554 : i32
    %mul3A_46 = vector.broadcast %mul3A_45 : i32 to vector<16xi32>
    %mul3A_47 = arith.muli %add3A_44, %mul3A_46 : vector<16xi32>
    %shift_right_logical3A_48 = arith.constant 16 : i32
    %shift_right_logical3A_49 = vector.broadcast %shift_right_logical3A_48 : i32 to vector<16xi32>
    %shift_right_logical3A_50 = arith.shrui %mul3A_47, %shift_right_logical3A_49 : vector<16xi32>
    %mul3A_51 = arith.constant 10 : i32
    %mul3A_52 = vector.broadcast %mul3A_51 : i32 to vector<16xi32>
    %mul3A_53 = arith.muli %shift_right_logical3A_50, %mul3A_52 : vector<16xi32>
    %sub3A_54 = arith.subi %add3A_44, %mul3A_53 : vector<16xi32>
    %add3A_55 = arith.constant 64 : i32
    %add3A_56 = vector.broadcast %add3A_55 : i32 to vector<16xi32>
    %add3A_57 = arith.addi %iota3A, %add3A_56 : vector<16xi32>
    %mul3A_58 = arith.constant 6554 : i32
    %mul3A_59 = vector.broadcast %mul3A_58 : i32 to vector<16xi32>
    %mul3A_60 = arith.muli %add3A_57, %mul3A_59 : vector<16xi32>
    %shift_right_logical3A_61 = arith.constant 16 : i32
    %shift_right_logical3A_62 = vector.broadcast %shift_right_logical3A_61 : i32 to vector<16xi32>
    %shift_right_logical3A_63 = arith.shrui %mul3A_60, %shift_right_logical3A_62 : vector<16xi32>
    %mul3A_64 = arith.constant 10 : i32
    %mul3A_65 = vector.broadcast %mul3A_64 : i32 to vector<16xi32>
    %mul3A_66 = arith.muli %shift_right_logical3A_63, %mul3A_65 : vector<16xi32>
    %sub3A_67 = arith.subi %add3A_57, %mul3A_66 : vector<16xi32>
    %add3A_68 = arith.constant 80 : i32
    %add3A_69 = vector.broadcast %add3A_68 : i32 to vector<16xi32>
    %add3A_70 = arith.addi %iota3A, %add3A_69 : vector<16xi32>
    %mul3A_71 = arith.constant 6554 : i32
    %mul3A_72 = vector.broadcast %mul3A_71 : i32 to vector<16xi32>
    %mul3A_73 = arith.muli %add3A_70, %mul3A_72 : vector<16xi32>
    %shift_right_logical3A_74 = arith.constant 16 : i32
    %shift_right_logical3A_75 = vector.broadcast %shift_right_logical3A_74 : i32 to vector<16xi32>
    %shift_right_logical3A_76 = arith.shrui %mul3A_73, %shift_right_logical3A_75 : vector<16xi32>
    %mul3A_77 = arith.constant 10 : i32
    %mul3A_78 = vector.broadcast %mul3A_77 : i32 to vector<16xi32>
    %mul3A_79 = arith.muli %shift_right_logical3A_76, %mul3A_78 : vector<16xi32>
    %sub3A_80 = arith.subi %add3A_70, %mul3A_79 : vector<16xi32>
    %add3A_81 = arith.constant 96 : i32
    %add3A_82 = vector.broadcast %add3A_81 : i32 to vector<16xi32>
    %add3A_83 = arith.addi %iota3A, %add3A_82 : vector<16xi32>
    %mul3A_84 = arith.constant 6554 : i32
    %mul3A_85 = vector.broadcast %mul3A_84 : i32 to vector<16xi32>
    %mul3A_86 = arith.muli %add3A_83, %mul3A_85 : vector<16xi32>
    %shift_right_logical3A_87 = arith.constant 16 : i32
    %shift_right_logical3A_88 = vector.broadcast %shift_right_logical3A_87 : i32 to vector<16xi32>
    %shift_right_logical3A_89 = arith.shrui %mul3A_86, %shift_right_logical3A_88 : vector<16xi32>
    %mul3A_90 = arith.constant 10 : i32
    %mul3A_91 = vector.broadcast %mul3A_90 : i32 to vector<16xi32>
    %mul3A_92 = arith.muli %shift_right_logical3A_89, %mul3A_91 : vector<16xi32>
    %sub3A_93 = arith.subi %add3A_83, %mul3A_92 : vector<16xi32>
    %add3A_94 = arith.constant 112 : i32
    %add3A_95 = vector.broadcast %add3A_94 : i32 to vector<16xi32>
    %add3A_96 = arith.addi %iota3A, %add3A_95 : vector<16xi32>
    %mul3A_97 = arith.constant 6554 : i32
    %mul3A_98 = vector.broadcast %mul3A_97 : i32 to vector<16xi32>
    %mul3A_99 = arith.muli %add3A_96, %mul3A_98 : vector<16xi32>
    %shift_right_logical3A_100 = arith.constant 16 : i32
    %shift_right_logical3A_101 = vector.broadcast %shift_right_logical3A_100 : i32 to vector<16xi32>
    %shift_right_logical3A_102 = arith.shrui %mul3A_99, %shift_right_logical3A_101 : vector<16xi32>
    %mul3A_103 = arith.constant 10 : i32
    %mul3A_104 = vector.broadcast %mul3A_103 : i32 to vector<16xi32>
    %mul3A_105 = arith.muli %shift_right_logical3A_102, %mul3A_104 : vector<16xi32>
    %sub3A_106 = arith.subi %add3A_96, %mul3A_105 : vector<16xi32>
    %add3A_107 = arith.constant 128 : i32
    %add3A_108 = vector.broadcast %add3A_107 : i32 to vector<16xi32>
    %add3A_109 = arith.addi %iota3A, %add3A_108 : vector<16xi32>
    %mul3A_110 = arith.constant 6554 : i32
    %mul3A_111 = vector.broadcast %mul3A_110 : i32 to vector<16xi32>
    %mul3A_112 = arith.muli %add3A_109, %mul3A_111 : vector<16xi32>
    %shift_right_logical3A_113 = arith.constant 16 : i32
    %shift_right_logical3A_114 = vector.broadcast %shift_right_logical3A_113 : i32 to vector<16xi32>
    %shift_right_logical3A_115 = arith.shrui %mul3A_112, %shift_right_logical3A_114 : vector<16xi32>
    %mul3A_116 = arith.constant 10 : i32
    %mul3A_117 = vector.broadcast %mul3A_116 : i32 to vector<16xi32>
    %mul3A_118 = arith.muli %shift_right_logical3A_115, %mul3A_117 : vector<16xi32>
    %sub3A_119 = arith.subi %add3A_109, %mul3A_118 : vector<16xi32>
    %add3A_120 = arith.constant 144 : i32
    %add3A_121 = vector.broadcast %add3A_120 : i32 to vector<16xi32>
    %add3A_122 = arith.addi %iota3A, %add3A_121 : vector<16xi32>
    %mul3A_123 = arith.constant 6554 : i32
    %mul3A_124 = vector.broadcast %mul3A_123 : i32 to vector<16xi32>
    %mul3A_125 = arith.muli %add3A_122, %mul3A_124 : vector<16xi32>
    %shift_right_logical3A_126 = arith.constant 16 : i32
    %shift_right_logical3A_127 = vector.broadcast %shift_right_logical3A_126 : i32 to vector<16xi32>
    %shift_right_logical3A_128 = arith.shrui %mul3A_125, %shift_right_logical3A_127 : vector<16xi32>
    %mul3A_129 = arith.constant 10 : i32
    %mul3A_130 = vector.broadcast %mul3A_129 : i32 to vector<16xi32>
    %mul3A_131 = arith.muli %shift_right_logical3A_128, %mul3A_130 : vector<16xi32>
    %sub3A_132 = arith.subi %add3A_122, %mul3A_131 : vector<16xi32>
    %parallel_loop3A = arith.constant 0 : i32
    %parallel_loop3A_133 = arith.constant 64 : i32
    %parallel_loop3A_134 = arith.constant 1 : i32
    scf.for %parallel_loop3A_159 = %parallel_loop3A to %parallel_loop3A_133 step %parallel_loop3A_134  : i32 {
      %parallel_loop3A_160 = arith.constant 16 : i32
      %parallel_loop3A_161 = arith.muli %parallel_loop3A_159, %parallel_loop3A_160 : i32
      %parallel_loop3A_162 = arith.index_cast %parallel_loop3A_161 : i32 to index
      %parallel_loop3A_163 = tpu.vector_load %arg5[%parallel_loop3A_162] {strides = array<i32>} : memref<1024xi32, #tpu.memory_space<vmem>>, vector<16xi32>,
      %parallel_loop3A_164 = arith.constant 16 : i32
      %parallel_loop3A_165 = arith.muli %parallel_loop3A_159, %parallel_loop3A_164 : i32
      %parallel_loop3A_166 = arith.constant 0 : i32
      %parallel_loop3A_167 = vector.broadcast %parallel_loop3A_166 : i32 to vector<16xi32>
      %parallel_loop3A_168 = arith.cmpi slt, %shift_right_logical3A_12, %parallel_loop3A_167 : vector<16xi32>
      %parallel_loop3A_169 = arith.constant 16 : i32
      %parallel_loop3A_170 = vector.broadcast %parallel_loop3A_169 : i32 to vector<16xi32>
      %parallel_loop3A_171 = arith.addi %shift_right_logical3A_12, %parallel_loop3A_170 : vector<16xi32>
      %parallel_loop3A_172 = arith.select %parallel_loop3A_168, %parallel_loop3A_171, %shift_right_logical3A_12 : vector<16xi1>, vector<16xi32>
      %parallel_loop3A_173 = vector.shape_cast %parallel_loop3A_172 : vector<16xi32> to vector<16x1xi32>
      %parallel_loop3A_174 = vector.shape_cast %parallel_loop3A_173 : vector<16x1xi32> to vector<16xi32>
      %parallel_loop3A_175 = tpu.dynamic_gather %parallel_loop3A_163[%parallel_loop3A_174] in [0] : vector<16xi32>, vector<16xi32> -> vector<16xi32>
      %parallel_loop3A_176 = tpu.vector_load_idx %arg6[%parallel_loop3A_175, %sub3A] : memref<17x10xf32, #tpu.memory_space<vmem>>[vector<16xi32>, vector<16xi32>], vector<16xf32>,
      %parallel_loop3A_177 = vector.broadcast %parallel_loop3A_165 : i32 to vector<16xi32>
      %parallel_loop3A_178 = arith.addi %shift_right_logical3A_12, %parallel_loop3A_177 : vector<16xi32>
      tpu.vector_store_idx %arg7[%parallel_loop3A_178, %sub3A], %parallel_loop3A_176 : memref<1024x10xf32, #tpu.memory_space<vmem>>[vector<16xi32>, vector<16xi32>], vector<16xf32>,
      %parallel_loop3A_179 = arith.constant 0 : i32
      %parallel_loop3A_180 = vector.broadcast %parallel_loop3A_179 : i32 to vector<16xi32>
      %parallel_loop3A_181 = arith.cmpi slt, %shift_right_logical3A_24, %parallel_loop3A_180 : vector<16xi32>
      %parallel_loop3A_182 = arith.constant 16 : i32
      %parallel_loop3A_183 = vector.broadcast %parallel_loop3A_182 : i32 to vector<16xi32>
      %parallel_loop3A_184 = arith.addi %shift_right_logical3A_24, %parallel_loop3A_183 : vector<16xi32>
      %parallel_loop3A_185 = arith.select %parallel_loop3A_181, %parallel_loop3A_184, %shift_right_logical3A_24 : vector<16xi1>, vector<16xi32>
      %parallel_loop3A_186 = vector.shape_cast %parallel_loop3A_185 : vector<16xi32> to vector<16x1xi32>
      %parallel_loop3A_187 = vector.shape_cast %parallel_loop3A_186 : vector<16x1xi32> to vector<16xi32>
      %parallel_loop3A_188 = tpu.dynamic_gather %parallel_loop3A_163[%parallel_loop3A_187] in [0] : vector<16xi32>, vector<16xi32> -> vector<16xi32>
      %parallel_loop3A_189 = tpu.vector_load_idx %arg6[%parallel_loop3A_188, %sub3A_28] : memref<17x10xf32, #tpu.memory_space<vmem>>[vector<16xi32>, vector<16xi32>], vector<16xf32>,
      %parallel_loop3A_190 = vector.broadcast %parallel_loop3A_165 : i32 to vector<16xi32>
      %parallel_loop3A_191 = arith.addi %shift_right_logical3A_24, %parallel_loop3A_190 : vector<16xi32>
      tpu.vector_store_idx %arg7[%parallel_loop3A_191, %sub3A_28], %parallel_loop3A_189 : memref<1024x10xf32, #tpu.memory_space<vmem>>[vector<16xi32>, vector<16xi32>], vector<16xf32>,
      %parallel_loop3A_192 = arith.constant 0 : i32
      %parallel_loop3A_193 = vector.broadcast %parallel_loop3A_192 : i32 to vector<16xi32>
      %parallel_loop3A_194 = arith.cmpi slt, %shift_right_logical3A_37, %parallel_loop3A_193 : vector<16xi32>
      %parallel_loop3A_195 = arith.constant 16 : i32
      %parallel_loop3A_196 = vector.broadcast %parallel_loop3A_195 : i32 to vector<16xi32>
      %parallel_loop3A_197 = arith.addi %shift_right_logical3A_37, %parallel_loop3A_196 : vector<16xi32>
      %parallel_loop3A_198 = arith.select %parallel_loop3A_194, %parallel_loop3A_197, %shift_right_logical3A_37 : vector<16xi1>, vector<16xi32>
      %parallel_loop3A_199 = vector.shape_cast %parallel_loop3A_198 : vector<16xi32> to vector<16x1xi32>
      %parallel_loop3A_200 = vector.shape_cast %parallel_loop3A_199 : vector<16x1xi32> to vector<16xi32>
      %parallel_loop3A_201 = tpu.dynamic_gather %parallel_loop3A_163[%parallel_loop3A_200] in [0] : vector<16xi32>, vector<16xi32> -> vector<16xi32>
      %parallel_loop3A_202 = tpu.vector_load_idx %arg6[%parallel_loop3A_201, %sub3A_41] : memref<17x10xf32, #tpu.memory_space<vmem>>[vector<16xi32>, vector<16xi32>], vector<16xf32>,
      %parallel_loop3A_203 = vector.broadcast %parallel_loop3A_165 : i32 to vector<16xi32>
      %parallel_loop3A_204 = arith.addi %shift_right_logical3A_37, %parallel_loop3A_203 : vector<16xi32>
      tpu.vector_store_idx %arg7[%parallel_loop3A_204, %sub3A_41], %parallel_loop3A_202 : memref<1024x10xf32, #tpu.memory_space<vmem>>[vector<16xi32>, vector<16xi32>], vector<16xf32>,
      %parallel_loop3A_205 = arith.constant 0 : i32
      %parallel_loop3A_206 = vector.broadcast %parallel_loop3A_205 : i32 to vector<16xi32>
      %parallel_loop3A_207 = arith.cmpi slt, %shift_right_logical3A_50, %parallel_loop3A_206 : vector<16xi32>
      %parallel_loop3A_208 = arith.constant 16 : i32
      %parallel_loop3A_209 = vector.broadcast %parallel_loop3A_208 : i32 to vector<16xi32>
      %parallel_loop3A_210 = arith.addi %shift_right_logical3A_50, %parallel_loop3A_209 : vector<16xi32>
      %parallel_loop3A_211 = arith.select %parallel_loop3A_207, %parallel_loop3A_210, %shift_right_logical3A_50 : vector<16xi1>, vector<16xi32>
      %parallel_loop3A_212 = vector.shape_cast %parallel_loop3A_211 : vector<16xi32> to vector<16x1xi32>
      %parallel_loop3A_213 = vector.shape_cast %parallel_loop3A_212 : vector<16x1xi32> to vector<16xi32>
      %parallel_loop3A_214 = tpu.dynamic_gather %parallel_loop3A_163[%parallel_loop3A_213] in [0] : vector<16xi32>, vector<16xi32> -> vector<16xi32>
      %parallel_loop3A_215 = tpu.vector_load_idx %arg6[%parallel_loop3A_214, %sub3A_54] : memref<17x10xf32, #tpu.memory_space<vmem>>[vector<16xi32>, vector<16xi32>], vector<16xf32>,
      %parallel_loop3A_216 = vector.broadcast %parallel_loop3A_165 : i32 to vector<16xi32>
      %parallel_loop3A_217 = arith.addi %shift_right_logical3A_50, %parallel_loop3A_216 : vector<16xi32>
      tpu.vector_store_idx %arg7[%parallel_loop3A_217, %sub3A_54], %parallel_loop3A_215 : memref<1024x10xf32, #tpu.memory_space<vmem>>[vector<16xi32>, vector<16xi32>], vector<16xf32>,
      %parallel_loop3A_218 = arith.constant 0 : i32
      %parallel_loop3A_219 = vector.broadcast %parallel_loop3A_218 : i32 to vector<16xi32>
      %parallel_loop3A_220 = arith.cmpi slt, %shift_right_logical3A_63, %parallel_loop3A_219 : vector<16xi32>
      %parallel_loop3A_221 = arith.constant 16 : i32
      %parallel_loop3A_222 = vector.broadcast %parallel_loop3A_221 : i32 to vector<16xi32>
      %parallel_loop3A_223 = arith.addi %shift_right_logical3A_63, %parallel_loop3A_222 : vector<16xi32>
      %parallel_loop3A_224 = arith.select %parallel_loop3A_220, %parallel_loop3A_223, %shift_right_logical3A_63 : vector<16xi1>, vector<16xi32>
      %parallel_loop3A_225 = vector.shape_cast %parallel_loop3A_224 : vector<16xi32> to vector<16x1xi32>
      %parallel_loop3A_226 = vector.shape_cast %parallel_loop3A_225 : vector<16x1xi32> to vector<16xi32>
      %parallel_loop3A_227 = tpu.dynamic_gather %parallel_loop3A_163[%parallel_loop3A_226] in [0] : vector<16xi32>, vector<16xi32> -> vector<16xi32>
      %parallel_loop3A_228 = tpu.vector_load_idx %arg6[%parallel_loop3A_227, %sub3A_67] : memref<17x10xf32, #tpu.memory_space<vmem>>[vector<16xi32>, vector<16xi32>], vector<16xf32>,
      %parallel_loop3A_229 = vector.broadcast %parallel_loop3A_165 : i32 to vector<16xi32>
      %parallel_loop3A_230 = arith.addi %shift_right_logical3A_63, %parallel_loop3A_229 : vector<16xi32>
      tpu.vector_store_idx %arg7[%parallel_loop3A_230, %sub3A_67], %parallel_loop3A_228 : memref<1024x10xf32, #tpu.memory_space<vmem>>[vector<16xi32>, vector<16xi32>], vector<16xf32>,
      %parallel_loop3A_231 = arith.constant 0 : i32
      %parallel_loop3A_232 = vector.broadcast %parallel_loop3A_231 : i32 to vector<16xi32>
      %parallel_loop3A_233 = arith.cmpi slt, %shift_right_logical3A_76, %parallel_loop3A_232 : vector<16xi32>
      %parallel_loop3A_234 = arith.constant 16 : i32
      %parallel_loop3A_235 = vector.broadcast %parallel_loop3A_234 : i32 to vector<16xi32>
      %parallel_loop3A_236 = arith.addi %shift_right_logical3A_76, %parallel_loop3A_235 : vector<16xi32>
      %parallel_loop3A_237 = arith.select %parallel_loop3A_233, %parallel_loop3A_236, %shift_right_logical3A_76 : vector<16xi1>, vector<16xi32>
      %parallel_loop3A_238 = vector.shape_cast %parallel_loop3A_237 : vector<16xi32> to vector<16x1xi32>
      %parallel_loop3A_239 = vector.shape_cast %parallel_loop3A_238 : vector<16x1xi32> to vector<16xi32>
      %parallel_loop3A_240 = tpu.dynamic_gather %parallel_loop3A_163[%parallel_loop3A_239] in [0] : vector<16xi32>, vector<16xi32> -> vector<16xi32>
      %parallel_loop3A_241 = tpu.vector_load_idx %arg6[%parallel_loop3A_240, %sub3A_80] : memref<17x10xf32, #tpu.memory_space<vmem>>[vector<16xi32>, vector<16xi32>], vector<16xf32>,
      %parallel_loop3A_242 = vector.broadcast %parallel_loop3A_165 : i32 to vector<16xi32>
      %parallel_loop3A_243 = arith.addi %shift_right_logical3A_76, %parallel_loop3A_242 : vector<16xi32>
      tpu.vector_store_idx %arg7[%parallel_loop3A_243, %sub3A_80], %parallel_loop3A_241 : memref<1024x10xf32, #tpu.memory_space<vmem>>[vector<16xi32>, vector<16xi32>], vector<16xf32>,
      %parallel_loop3A_244 = arith.constant 0 : i32
      %parallel_loop3A_245 = vector.broadcast %parallel_loop3A_244 : i32 to vector<16xi32>
      %parallel_loop3A_246 = arith.cmpi slt, %shift_right_logical3A_89, %parallel_loop3A_245 : vector<16xi32>
      %parallel_loop3A_247 = arith.constant 16 : i32
      %parallel_loop3A_248 = vector.broadcast %parallel_loop3A_247 : i32 to vector<16xi32>
      %parallel_loop3A_249 = arith.addi %shift_right_logical3A_89, %parallel_loop3A_248 : vector<16xi32>
      %parallel_loop3A_250 = arith.select %parallel_loop3A_246, %parallel_loop3A_249, %shift_right_logical3A_89 : vector<16xi1>, vector<16xi32>
      %parallel_loop3A_251 = vector.shape_cast %parallel_loop3A_250 : vector<16xi32> to vector<16x1xi32>
      %parallel_loop3A_252 = vector.shape_cast %parallel_loop3A_251 : vector<16x1xi32> to vector<16xi32>
      %parallel_loop3A_253 = tpu.dynamic_gather %parallel_loop3A_163[%parallel_loop3A_252] in [0] : vector<16xi32>, vector<16xi32> -> vector<16xi32>
      %parallel_loop3A_254 = tpu.vector_load_idx %arg6[%parallel_loop3A_253, %sub3A_93] : memref<17x10xf32, #tpu.memory_space<vmem>>[vector<16xi32>, vector<16xi32>], vector<16xf32>,
      %parallel_loop3A_255 = vector.broadcast %parallel_loop3A_165 : i32 to vector<16xi32>
      %parallel_loop3A_256 = arith.addi %shift_right_logical3A_89, %parallel_loop3A_255 : vector<16xi32>
      tpu.vector_store_idx %arg7[%parallel_loop3A_256, %sub3A_93], %parallel_loop3A_254 : memref<1024x10xf32, #tpu.memory_space<vmem>>[vector<16xi32>, vector<16xi32>], vector<16xf32>,
      %parallel_loop3A_257 = arith.constant 0 : i32
      %parallel_loop3A_258 = vector.broadcast %parallel_loop3A_257 : i32 to vector<16xi32>
      %parallel_loop3A_259 = arith.cmpi slt, %shift_right_logical3A_102, %parallel_loop3A_258 : vector<16xi32>
      %parallel_loop3A_260 = arith.constant 16 : i32
      %parallel_loop3A_261 = vector.broadcast %parallel_loop3A_260 : i32 to vector<16xi32>
      %parallel_loop3A_262 = arith.addi %shift_right_logical3A_102, %parallel_loop3A_261 : vector<16xi32>
      %parallel_loop3A_263 = arith.select %parallel_loop3A_259, %parallel_loop3A_262, %shift_right_logical3A_102 : vector<16xi1>, vector<16xi32>
      %parallel_loop3A_264 = vector.shape_cast %parallel_loop3A_263 : vector<16xi32> to vector<16x1xi32>
      %parallel_loop3A_265 = vector.shape_cast %parallel_loop3A_264 : vector<16x1xi32> to vector<16xi32>
      %parallel_loop3A_266 = tpu.dynamic_gather %parallel_loop3A_163[%parallel_loop3A_265] in [0] : vector<16xi32>, vector<16xi32> -> vector<16xi32>
      %parallel_loop3A_267 = tpu.vector_load_idx %arg6[%parallel_loop3A_266, %sub3A_106] : memref<17x10xf32, #tpu.memory_space<vmem>>[vector<16xi32>, vector<16xi32>], vector<16xf32>,
      %parallel_loop3A_268 = vector.broadcast %parallel_loop3A_165 : i32 to vector<16xi32>
      %parallel_loop3A_269 = arith.addi %shift_right_logical3A_102, %parallel_loop3A_268 : vector<16xi32>
      tpu.vector_store_idx %arg7[%parallel_loop3A_269, %sub3A_106], %parallel_loop3A_267 : memref<1024x10xf32, #tpu.memory_space<vmem>>[vector<16xi32>, vector<16xi32>], vector<16xf32>,
      %parallel_loop3A_270 = arith.constant 0 : i32
      %parallel_loop3A_271 = vector.broadcast %parallel_loop3A_270 : i32 to vector<16xi32>
      %parallel_loop3A_272 = arith.cmpi slt, %shift_right_logical3A_115, %parallel_loop3A_271 : vector<16xi32>
      %parallel_loop3A_273 = arith.constant 16 : i32
      %parallel_loop3A_274 = vector.broadcast %parallel_loop3A_273 : i32 to vector<16xi32>
      %parallel_loop3A_275 = arith.addi %shift_right_logical3A_115, %parallel_loop3A_274 : vector<16xi32>
      %parallel_loop3A_276 = arith.select %parallel_loop3A_272, %parallel_loop3A_275, %shift_right_logical3A_115 : vector<16xi1>, vector<16xi32>
      %parallel_loop3A_277 = vector.shape_cast %parallel_loop3A_276 : vector<16xi32> to vector<16x1xi32>
      %parallel_loop3A_278 = vector.shape_cast %parallel_loop3A_277 : vector<16x1xi32> to vector<16xi32>
      %parallel_loop3A_279 = tpu.dynamic_gather %parallel_loop3A_163[%parallel_loop3A_278] in [0] : vector<16xi32>, vector<16xi32> -> vector<16xi32>
      %parallel_loop3A_280 = tpu.vector_load_idx %arg6[%parallel_loop3A_279, %sub3A_119] : memref<17x10xf32, #tpu.memory_space<vmem>>[vector<16xi32>, vector<16xi32>], vector<16xf32>,
      %parallel_loop3A_281 = vector.broadcast %parallel_loop3A_165 : i32 to vector<16xi32>
      %parallel_loop3A_282 = arith.addi %shift_right_logical3A_115, %parallel_loop3A_281 : vector<16xi32>
      tpu.vector_store_idx %arg7[%parallel_loop3A_282, %sub3A_119], %parallel_loop3A_280 : memref<1024x10xf32, #tpu.memory_space<vmem>>[vector<16xi32>, vector<16xi32>], vector<16xf32>,
      %parallel_loop3A_283 = arith.constant 0 : i32
      %parallel_loop3A_284 = vector.broadcast %parallel_loop3A_283 : i32 to vector<16xi32>
      %parallel_loop3A_285 = arith.cmpi slt, %shift_right_logical3A_128, %parallel_loop3A_284 : vector<16xi32>
      %parallel_loop3A_286 = arith.constant 16 : i32
      %parallel_loop3A_287 = vector.broadcast %parallel_loop3A_286 : i32 to vector<16xi32>
      %parallel_loop3A_288 = arith.addi %shift_right_logical3A_128, %parallel_loop3A_287 : vector<16xi32>
      %parallel_loop3A_289 = arith.select %parallel_loop3A_285, %parallel_loop3A_288, %shift_right_logical3A_128 : vector<16xi1>, vector<16xi32>
      %parallel_loop3A_290 = vector.shape_cast %parallel_loop3A_289 : vector<16xi32> to vector<16x1xi32>
      %parallel_loop3A_291 = vector.shape_cast %parallel_loop3A_290 : vector<16x1xi32> to vector<16xi32>
      %parallel_loop3A_292 = tpu.dynamic_gather %parallel_loop3A_163[%parallel_loop3A_291] in [0] : vector<16xi32>, vector<16xi32> -> vector<16xi32>
      %parallel_loop3A_293 = tpu.vector_load_idx %arg6[%parallel_loop3A_292, %sub3A_132] : memref<17x10xf32, #tpu.memory_space<vmem>>[vector<16xi32>, vector<16xi32>], vector<16xf32>,
      %parallel_loop3A_294 = vector.broadcast %parallel_loop3A_165 : i32 to vector<16xi32>
      %parallel_loop3A_295 = arith.addi %shift_right_logical3A_128, %parallel_loop3A_294 : vector<16xi32>
      tpu.vector_store_idx %arg7[%parallel_loop3A_295, %sub3A_132], %parallel_loop3A_293 : memref<1024x10xf32, #tpu.memory_space<vmem>>[vector<16xi32>, vector<16xi32>], vector<16xf32>,
    } {sc.loop_unroll_factor = 8 : i64, sc.parallel_access}
    %mul3A_135 = arith.constant 1024 : i32
    %mul3A_136 = arith.muli %add3A, %mul3A_135 : i32
    %add3A_137 = arith.constant 0 : i32
    %add3A_138 = arith.addi %mul3A_136, %add3A_137 : i32
    %dma_start3A_139 = arith.constant 0 : i32
    %dma_start3A_140 = arith.constant 0 : i32
    %dma_start3A_141 = tpu.memref_slice %arg7[%dma_start3A_139, %dma_start3A_140] : memref<1024x10xf32, #tpu.memory_space<vmem>> -> memref<1024x10xf32, #tpu.memory_space<vmem>>
    %dma_start3A_142 = arith.constant 0 : i32
    %dma_start3A_143 = tpu.memref_slice %arg4[%add3A_138, %dma_start3A_142] : memref<16384x10xf32, #tpu.memory_space<hbm>> -> memref<1024x10xf32, #tpu.memory_space<hbm>>
    %dma_start3A_144 = arith.constant 0 : i32
    %dma_start3A_145 = tpu.memref_slice %arg4[%add3A_138, %dma_start3A_144] : memref<16384x10xf32, #tpu.memory_space<hbm>> -> memref<1024x10xf32, #tpu.memory_space<hbm>>
    %dma_start3A_146 = arith.constant 0 : i32
    %dma_start3A_147 = arith.constant 0 : i32
    %dma_start3A_148 = tpu.memref_slice %arg7[%dma_start3A_146, %dma_start3A_147] : memref<1024x10xf32, #tpu.memory_space<vmem>> -> memref<1024x10xf32, #tpu.memory_space<vmem>>
    tpu.enqueue_dma source(%dma_start3A_148 : memref<1024x10xf32, #tpu.memory_space<vmem>>) target(%dma_start3A_145 : memref<1024x10xf32, #tpu.memory_space<hbm>>) target_semaphore(%arg9 : memref<!tpu.dma_semaphore, #tpu.memory_space<semaphore_mem>>)
    %dma_wait3A_149 = arith.constant 0 : i32
    %dma_wait3A_150 = arith.constant 0 : i32
    %dma_wait3A_151 = tpu.memref_slice %arg7[%dma_wait3A_149, %dma_wait3A_150] : memref<1024x10xf32, #tpu.memory_space<vmem>> -> memref<1024x10xf32, #tpu.memory_space<vmem>>
    %dma_wait3A_152 = arith.constant 0 : i32
    %dma_wait3A_153 = tpu.memref_slice %arg4[%add3A_138, %dma_wait3A_152] : memref<16384x10xf32, #tpu.memory_space<hbm>> -> memref<1024x10xf32, #tpu.memory_space<hbm>>
    %dma_wait3A_154 = arith.constant 0 : i32
    %dma_wait3A_155 = tpu.memref_slice %arg4[%add3A_138, %dma_wait3A_154] : memref<16384x10xf32, #tpu.memory_space<hbm>> -> memref<1024x10xf32, #tpu.memory_space<hbm>>
    %dma_wait3A_156 = arith.constant 0 : i32
    %dma_wait3A_157 = arith.constant 0 : i32
    %dma_wait3A_158 = tpu.memref_slice %arg7[%dma_wait3A_156, %dma_wait3A_157] : memref<1024x10xf32, #tpu.memory_space<vmem>> -> memref<1024x10xf32, #tpu.memory_space<vmem>>
    tpu.wait_dma2 semaphore(%arg9 : memref<!tpu.dma_semaphore, #tpu.memory_space<semaphore_mem>>) src(%dma_wait3A_158 : memref<1024x10xf32, #tpu.memory_space<vmem>>) dst(%dma_wait3A_155 : memref<1024x10xf32, #tpu.memory_space<hbm>>)
    return
  }
}

</mosaic_0001>

<sc_bundles>
// kernel: kernel.3.cloned.1.call-start
scs
__scs_entry_jumppad:
0x0: {  	(pc) =	sbr.rel $0x88, $3  }
0x1: {  	(tag) =	ssettag $0x0;
	lr =	simm.s32 $0x1  }
0x2: {  	[smem:$0x3F9F] =	sst lr;
	_ =	strace $0xD0000000  }
0x3: {  	_ = 	snop  }
0x4: {  	_ = 	snop  }
0x5: {  	_ = 	snop  }
0x6: {  	_ = 	snop  }
0x7: {  	_ = 	snop  }
__scs_overlays_trampoline_lowered:
0x8: {  	[smem:$0x3FAE] =	sst s0  }
0x9: {  	[smem:$0x3FAF] =	sst s1  }
0xa: {  	[smem:$0x3FB0] =	sst s2  }
0xb: {  	[smem:$0x3FB1] =	sst s3  }
0xc: {  	[smem:$0x3FB2] =	sst s4  }
0xd: {  	[smem:$0x3FB3] =	sst s5  }
0xe: {  	[smem:$0x3FB4] =	sst s6  }
0xf: {  	[smem:$0x3FB5] =	sst s7  }
0x10: {  	[smem:$0x3FB6] =	sst s8  }
0x11: {  	[smem:$0x3FB7] =	sst s9;
	s0 =	simm.s32 @!p0 $0x0  }
0x12: {  	s1 =	sld [smem:$0x3F9D];
	s0 =	simm.s32 @p0 $0x1  }
0x13: {  	[smem:$0x3FB8] =	sst s0;
	s0 =	simm.s32 @!p1 $0x0  }
0x14: {  	s2 =	sld [smem:$0x3F9C];
	s0 =	simm.s32 @p1 $0x1  }
0x15: {  	[smem:$0x3FB9] =	sst s0;
	s0 =	simm.s32 @!p2 $0x0  }
0x16: {  	s3 =	sld [smem:$0x3FDB];
	s0 =	simm.s32 @p2 $0x1  }
0x17: {  	s4 =	simm.s32 $0x1BF5;
	[smem:$0x3FBB] =	sst s0  }
0x18: {  	s0 =	sld [smem:$0x3F9E];
	_ =	swait.ge [sflag:s4], $0x0  }
0x19: {  	s7 =	sld [smem:$0x3F9F]  }
0x1a: {  	s8 =	sadd.s32 $0xFFFFE003, lr  }
0x1b: {  	s9 =	sadd.s32 $0xFFFFFEF7, lr;
	s5 =	simm.s32 $0xFFFFFFFF;
	p2 =	slt.u32 s8, $0xFFFFF086  }
0x1c: {  	p1 =	slt.u32 s9, $0xF7A;
	s5 =	simm.s32 @!p2 $0x0  }
0x1d: {  	s5 =	simm.s32 @p1 $0x1;
	p0 =	seq.s32 s7, s2  }
0x1e: {  	s7 =	smul.u32 @!p0 $0xF7A, s2;
	p2 =	seq.s32 @!p0 s5, $0x0  }
0x1f: {  	s9 =	smul.u32 $0xF7A, s1;
	s8 =	simm.s32 @!p0 $0x1BF5;
	p2 =	por !p2, p0  }
0x20: {  	[sflag:s8] =	ssyncset.s32 @!p0 $0xFFFFF086;
	s6 =	sadd.s32 @!p0 s3, s7;
	s7 =	simm.s32 @!p0 $0x108  }
0x21: {  	s3 =	sadd.s32 s3, s9;
	s6 =	sadd.s32 @!p0 $0x88, s6;
	s7 =	simm.s32 @p2 $0x1082  }
0x22: {  	[simem:s7], [sflag:s8] =	dma.local @!p0 [hbm:s6], $0xF7A  }
0x23: {  	s9 =	sor.u32 $0xD0000000, s2;
	s6 =	simm.s32 $0x108;
	_ =	swait.ge @!p0 [sflag:s8], $0x0  }
0x24: {  	s3 =	sadd.s32 $0x88, s3;
	s6 =	simm.s32 @!p1 $0x1082;
	[sflag:s4] =	ssyncset.s32 $0xFFFFF086  }
0x25: {  	[simem:s6], [sflag:s4] =	dma.local [hbm:s3], $0xF7A  }
0x26: {  	[smem:$0x3F9F] =	sst s1;
	(tag) =	ssettag s2;
	_ =	strace s9  }
0x27: {  	s1 =	sld [smem:$0x3FAF]  }
0x28: {  	s2 =	sld [smem:$0x3FB0]  }
0x29: {  	s4 =	sld [smem:$0x3FB2]  }
0x2a: {  	p0 =	seq.s32 s5, $0x0;
	s5 =	sld [smem:$0x3FB3]  }
0x2b: {  	s6 =	sld [smem:$0x3FB4]  }
0x2c: {  	s7 =	sld [smem:$0x3FB5]  }
0x2d: {  	s3 =	simm.s32 $0x108;
	s8 =	sld [smem:$0x3FB6]  }
0x2e: {  	s3 =	simm.s32 @!p0 $0x1082;
	s9 =	sld [smem:$0x3FB7]  }
0x2f: {  	lr =	sadd.s32 s0, s3;
	s0 =	sld [smem:$0x3FAE]  }
0x30: {  	s3 =	sld [smem:$0x3FB1]  }
0x31: {  	[smem:$0x3FBA] =	sst s10  }
0x32: {  	s10 =	sld [smem:$0x3FB8];
	_ =	sdelay $0x3  }
0x33: {  	p0 =	seq.s32 s10, $0x1;
	s10 =	sld [smem:$0x3FBA];
	_ =	sdelay $0x3  }
0x34: {  	[smem:$0x3FBA] =	sst s10  }
0x35: {  	s10 =	sld [smem:$0x3FB9];
	_ =	sdelay $0x3  }
0x36: {  	p1 =	seq.s32 s10, $0x1;
	s10 =	sld [smem:$0x3FBA];
	_ =	sdelay $0x3  }
0x37: {  	[smem:$0x3FBA] =	sst s10  }
0x38: {  	s10 =	sld [smem:$0x3FBB]  }
0x39: {  	_ = 	snop;
	(pc) =	sbr.ind lr, $3  }
0x3a: {  	_ = 	snop  }
0x3b: {  	_ = 	snop  }
0x3c: {  	p2 =	seq.s32 s10, $0x1;
	s10 =	sld [smem:$0x3FBA]  }
0x3d: {  	_ =	shalt  }
0x3e: {  	_ =	shalt  }
0x3f: {  	_ =	shalt  }
0x40: {  	_ =	shalt  }
0x41: {  	_ =	shalt  }
0x42: {  	_ =	shalt  }
0x43: {  	_ =	shalt  }
0x44: {  	_ =	shalt  }
0x45: {  	_ =	shalt  }
0x46: {  	_ =	shalt  }
0x47: {  	_ =	shalt  }
0x48: {  	_ =	shalt  }
0x49: {  	_ =	shalt  }
0x4a: {  	_ =	shalt  }
0x4b: {  	_ =	shalt  }
0x4c: {  	_ =	shalt  }
0x4d: {  	_ =	shalt  }
0x4e: {  	_ =	shalt  }
0x4f: {  	_ =	shalt  }
0x50: {  	_ =	shalt  }
0x51: {  	_ =	shalt  }
0x52: {  	_ =	shalt  }
0x53: {  	_ =	shalt  }
0x54: {  	_ =	shalt  }
0x55: {  	_ =	shalt  }
0x56: {  	_ =	shalt  }
0x57: {  	_ =	shalt  }
0x58: {  	_ =	shalt  }
0x59: {  	_ =	shalt  }
0x5a: {  	_ =	shalt  }
0x5b: {  	_ =	shalt  }
0x5c: {  	_ =	shalt  }
0x5d: {  	_ =	shalt  }
0x5e: {  	_ =	shalt  }
0x5f: {  	_ =	shalt  }
0x60: {  	_ =	shalt  }
0x61: {  	_ =	shalt  }
0x62: {  	_ =	shalt  }
0x63: {  	_ =	shalt  }
0x64: {  	_ =	shalt  }
0x65: {  	_ =	shalt  }
0x66: {  	_ =	shalt  }
0x67: {  	_ =	shalt  }
0x68: {  	_ =	shalt  }
0x69: {  	_ =	shalt  }
0x6a: {  	_ =	shalt  }
0x6b: {  	_ =	shalt  }
0x6c: {  	_ =	shalt  }
0x6d: {  	_ =	shalt  }
0x6e: {  	_ =	shalt  }
0x6f: {  	_ =	shalt  }
0x70: {  	_ =	shalt  }
0x71: {  	_ =	shalt  }
0x72: {  	_ =	shalt  }
0x73: {  	_ =	shalt  }
0x74: {  	_ =	shalt  }
0x75: {  	_ =	shalt  }
0x76: {  	_ =	shalt  }
0x77: {  	_ =	shalt  }
0x78: {  	_ =	shalt  }
0x79: {  	_ =	shalt  }
0x7a: {  	_ =	shalt  }
0x7b: {  	_ =	shalt  }
0x7c: {  	_ =	shalt  }
0x7d: {  	_ =	shalt  }
0x7e: {  	_ =	shalt  }
0x7f: {  	_ =	shalt  }
0x80: {  	_ =	shalt  }
0x81: {  	_ =	shalt  }
0x82: {  	_ =	shalt  }
0x83: {  	_ =	shalt  }
0x84: {  	_ =	shalt  }
0x85: {  	_ =	shalt  }
0x86: {  	_ =	shalt  }
0x87: {  	_ =	shalt  }
.Lfunc_end0:
.L_simem_size_0:
called_computation_lowered:
.L_overlay_start_0:
0x88: {  	s0 =	sld [smem:$0x3FD9]  }
0x89: {  	s1 =	sld [smem:$0x3FFE];
	_ =	sdelay $0x3  }
0x8a: {  	s0 =	sadd.s32 s1, s0  }
0x8b: {  	[smem:$0x3FC6] =	sst s0  }
0x8c: {  	_ = 	snop  }
0x8d: {  	s0 =	sld [smem:$0x3FC9]  }
0x8e: {  	s16 =	sld [smem:$0x3FD0];
	(tm) =	ssettm $0x1  }
0x8f: {  	s2 =	sld [smem:$0x3FFB];
	_ =	sdelay $0x3  }
0x90: {  	_ =	strace s2  }
0x91: {  	s2 =	sld [smem:$0x3FFC];
	_ =	sdelay $0x3  }
0x92: {  	_ =	strace s2  }
0x93: {  	s2 =	sld [smem:$0x3FFD];
	_ =	sdelay $0x3  }
0x94: {  	_ =	strace s2  }
0x95: {  	_ =	strace $0x8FFFFFFF  }
0x96: {  	s17 =	sld [smem:$0x3FDB];
	_ =	sdelay $0x1  }
0x97: {  	s3 =	simm.s32 $_scs_section_size  }
0x98: {  	s4 =	simm.s32 $_size__tile_overlayer_lowered;
	s5 =	simm.s32 $_tile_overlayer_lowered  }
0x99: {  	s20 =	simm.s32 $0x1BFF;
	s19 =	sshll.u32 s5, $0x1;
	s2 =	sadd.s32 s3, s17  }
0x9a: {  	s6 =	simm.s32 $0x0;
	s18 =	sshll.u32 s4, $0x1;
	s4 =	sadd.s32 s19, s2  }
0x9b: {  	[timem:s6], [sflag:s20] =	dma.local [hbm:s4], s18  }
0x9c: {  	_ =	swait.ge [sflag:s20], s18  }
0x9d: {  	s3 =	ssub.s32 $0x0, s18;
	[sflag:s20] =	ssyncset.done $0x0  }
0x9e: {  	[sflag:s20] =	ssyncadd.s32 s3;
	_ =	sdelay $0x1  }
0x9f: {  	s21 =	simm.s32 $0x1B8B  }
0xa0: {  	_ =	swait.ge [sflag:s21], $0x1  }
0xa1: {  	[sflag:s21] =	ssyncset.done $0x0  }
0xa2: {  	s23 =	simm.s32 $0x1B8E;
	s22 =	sld [smem:$0x3FFE];
	[sflag:s21] =	ssyncadd.s32 $0xFFFFFFFF  }
0xa3: {  	s24 =	simm.s32 $execute0_lowered;
	[smem:$0x3FD2] =	sst s23  }
0xa4: {  	s4 =	sshll.u32 s24, $0x1;
	_ =	strace $0x80000046;
	[dreg:$0x1] =	wrdreg $0xFFFFFFFF  }
0xa5: {  	s25 =	simm.s32 $_size_execute0_lowered;
	s2 =	sadd.s32 s2, s4;
	[dreg:$0x0] =	wrdreg $0x0  }
0xa6: {  	s4 =	sshll.u32 s25, $0x1;
	[dreg:$0x2] =	wrdreg s2  }
0xa7: {  	[dreg:$0x3] =	wrdreg s4  }
0xa8: {  	[dreg:$0x4] =	wrdreg $0xC0  }
0xa9: {  	_ =	task [dreg:s6], $0x5FFFF  }
0xaa: {  	[dreg:$0x1] =	wrdreg $0xFFFFFFFF  }
0xab: {  	[dreg:$0x0] =	wrdreg $0x60  }
0xac: {  	[dreg:$0x2] =	wrdreg s0  }
0xad: {  	[dreg:$0x3] =	wrdreg s22  }
0xae: {  	[dreg:$0x4] =	wrdreg s16  }
0xaf: {  	[dreg:$0x5] =	wrdreg $0x9  }
0xb0: {  	_ =	task.clear_ibuf [dreg:s6], $0x6FFFF;
	_ =	strace $0x90000046  }
0xb1: {  	s26 =	simm.s32 $0x9;
	_ =	strace $0x80000048  }
0xb2: {  	_ =	swait.ge [sflag:s26], $0x1  }
0xb3: {  	[sflag:s26] =	ssyncadd.s32 $0xFFFFFFFF  }
0xb4: {  	_ =	strace $0x90000048  }
0xb5: {  	_ =	sfence  }
0xb6: {  	s28 =	sld [smem:$0x0];
	_ =	sdelay $0x1  }
0xb7: {  	s29 =	srdreg.scid  }
0xb8: {  	s30 =	sshll.u32 s29, $0xD;
	s31 =	sshrl.u32 s29, $0x2  }
0xb9: {  	s1 =	sand.u32 $0x1, s29;
	s2 =	sand.u32 $0x4000, s30;
	s0 =	sadd.s32 s31, s28  }
0xba: {  	s1 =	sor.u32 s2, s1;
	s0 =	sshll.u32 s0, $0x11  }
0xbb: {  	s0 =	sor.u32 s0, s1  }
0xbc: {  	s0 =	sadd.s32 $0x8F2B, s0  }
0xbd: {  	[sflag:s0] =	ssyncadd.remote.s32 $0x1  }
0xbe: {  	_ =	sfence.sel $0xFFFF  }
0xbf: {  	[dreg:$0x0] =	wrdreg $0xFFFFFFFF;
	(pc) =	sbr.abs _section_cstart, $3  }
0xc0: {  	[dreg:$0x1] =	wrdreg $0xFFFFFFFF  }
0xc1: {  	_ =	task.clear_ibuf [dreg:s6], $0x2FFFF;
	_ =	strace $0x9FFFFFFF  }
0xc2: {  	(tm) =	ssettm $0x7FFFFFFF  }
0xc3: {  	_ =	shalt  }
tec
execute0_lowered:
.L_overlay_start_1:
0x0: {  	(tag) =	ssettag $0x1  }
0x1: {  	vm3 =	vcmask $0x2700  }
0x2: {  	v0 =	vimm.s32 $0x1;
	v1 =	vimm.s32 $0xE0;
	vm1 =	vcmask $0x700  }
0x3: {  	vm0 =	vcmask $0x1700;
	s3 =	rddreg [dreg:$0x0];
	vm2 =	vcmask $0x2F08;
	v2 =	vimm.s32 $0xB0  }
0x4: {  	vm14 =	vcmask $0xF00;
	s5 =	rddreg [dreg:$0x1];
	v3 =	vimm.s32 $0x50504040;
	vm4 =	vcmask $0x3710  }
0x5: {  	s2 =	rddreg [dreg:$0x2];
	v4 =	vimm.s32 $0x90;
	v61 =	vimm.s32 $0x70;
	vm15 =	vcmask $0x2F10  }
0x6: {  	s0 =	rddreg [dreg:$0x3];
	v6 =	vimm.s32 $0x30;
	v7 =	vimm.s32 $0x76543210;
	v1 =	vsel vm1, $0xC0, v1  }
0x7: {  	s4 =	simm.s32 $0x0;
	s1 =	stileid.u32;
	v9 =	vimm.s32 $0x54321098;
	v62 =	vimm.s32 $0x32109876;
	s25 =	simm.s32 $0x1;
	v1 =	vsel vm2, $0xD0, v1  }
0x8: {  	v8 =	vlaneseq.u32;
	v10 =	vimm.s32 $0x10;
	v17 =	vimm.s32 $0x5050404;
	s28 =	simm.s32 $0x70;
	[smem:$0x7FF] =	sst s4;
	s6 =	sshll.u32 s1, $0x7;
	[tilespmem:$0x1FFA0] =	vst v1  }
0x9: {  	v22 =	vimm.s32 $0x9;
	s8 =	simm.s32 $0x40;
	v0 =	vsel vm3, $0x0, v0;
	v2 =	vsel vm14, $0x90, v2;
	s3 =	sadd.s32 s3, s6;
	_ =	strace $0x80000047  }
0xa: {  	v5 =	vunpack.c.0.s8.s32 v3;
	v3 =	vsel vm3, $0x80, v4;
	v4 =	vsel vm0, $0x60, v61;
	[tilespmem:s4], [sflag:$0x1] =	stream.linear.gather [hbm4b:s3+s4], $0x400, $0x38;
	[tilespmem:$0x4510] =	vst v63  }
0xb: {  	s9 =	simm.s32 $0x50;
	v7 =	vunpack.c.l.s4.s8 v7;
	s5 =	sadd.s32 $0x400, s5;
	v6 =	vsel vm14, $0x10, v6;
	v21 =	vshrl.u32 v8, $0x3;
	s3 =	simm.s32 $0x400  }
0xc: {  	v8 =	vunpack.c.l.s4.s8 v9;
	v12 =	vunpack.c.l.s4.s8 v62;
	v17 =	vunpack.c.0.s8.s32 v17;
	[tilespmem:s3], [sflag:$0x1] =	stream.linear.gather [hbm4b:s5+s4], $0x110, $0x38;
	[tilespmem:$0x4510] =	vst v63  }
0xd: {  	v37 =	vmov s28;
	v49 =	vmov s8;
	v50 =	vmov s9;
	_ =	swait.ge [sflag:s25], $0x400  }
0xe: {  	v52 =	vmov s4;
	v2 =	vsel vm4, $0xA0, v2;
	v6 =	vsel vm4, $0x20, v6;
	[sflag:s25] =	ssyncset.done $0x0  }
0xf: {  	v9 =	vmul.u32 $0x10, v21;
	v39 =	vshll.u32 v37, $0x4;
	v5 =	vnsel vm14, $0x60, v5;
	[sflag:s25] =	ssyncadd.s32 $0xFFFFFC00  }
0x10: {  	v11 =	vunpack.c.0.s8.s32 v7;
	v14 =	vunpack.c.0.s8.s32 v8;
	v8 =	vimm.s32 $0x10987654;
	_ =	swait.ge [sflag:s25], $0x110  }
0x11: {  	v7 =	vsel vm3, $0x0, v10;
	v15 =	vunpack.c.0.s8.s32 v12;
	v12 =	vimm.s32 $0x98765432;
	[sflag:s25] =	ssyncset.done $0x0  }
0x12: {  	s26 =	simm.s32 $0x40;
	v5 =	vsel vm15, $0x50, v5;
	v13 =	vunpack.c.l.s4.s8 v8;
	v8 =	vadd.s32 $0xB0, v9;
	[sflag:s25] =	ssyncadd.s32 $0xFFFFFEF0  }
0x13: {  	v9 =	vadd.s32 $0x30, v9;
	v12 =	vunpack.c.l.s4.s8 v12;
	v43 =	vor.u32 v7, v39;
	v28 =	vld [tilespmem:s26+$0x30]  }
0x14: {  	v10 =	vcombine.low v11, v14;
	v20 =	vcombine.low v14, v15;
	v18 =	vunpack.c.0.s8.s32 v13;
	v30 =	vld [tilespmem:s26+$0xFFFFFFD0]  }
0x15: {  	v14 =	vadd.s32 $0x3, v21;
	v13 =	vimm.s32 $0x3;
	v19 =	vunpack.c.0.s8.s32 v12;
	v1 =	vld [tilespmem:s26+$0xFFFFFFE0]  }
0x16: {  	v10 =	vand.u32 $0xF, v10;
	v13 =	vsel vm14, $0x1, v13;
	v16 =	vcombine.low v15, v18;
	v31 =	vld [tilespmem:s26+$0xFFFFFFF0]  }
0x17: {  	v12 =	vsel vm4, $0x2, v13;
	v15 =	vand.u32 $0xF, v19;
	v19 =	vcombine.low v18, v19;
	v34 =	vld [tilespmem:s26+$0x20]  }
0x18: {  	v43 =	vor.u32 v10, v43;
	v15 =	vcombine.low v15, v11;
	v11 =	vimm.s32 $0x7;
	v35 =	vld [tilespmem:s26+$0xFFFFFFC0]  }
0x19: {  	v13 =	vand.u32 $0xF, v16;
	v16 =	vnsel vm14, $0x6, v17;
	v17 =	vand.u32 $0xF, v20  }
0x1a: {  	v20 =	vimm.s32 $0xB;
	v32 =	vld [tilespmem:s26+$0x0];
	v23 =	vperm.xlane v28, v0;
	v24 =	vperm.xlane v30, v0  }
0x1b: {  	v18 =	vsel vm0, $0x6, v11;
	v33 =	vld [tilespmem:s26+$0x10];
	v27 =	vperm.xlane v30, v12;
	v25 =	vperm.xlane v1, v0  }
0x1c: {  	v11 =	vand.u32 $0xF, v19;
	v40 =	vperm.xlane v1, v12;
	v26 =	vperm.xlane v31, v0  }
0x1d: {  	v19 =	vsel vm3, $0x8, v22;
	v36 =	vperm.xlane v34, v0;
	v38 =	vperm.xlane v35, v0  }
0x1e: {  	v16 =	vsel vm15, $0x5, v16;
	v63 =	vperm.xlane v28, v12;
	v60 =	vperm.xlane v28, v14  }
0x1f: {  	v61 =	vperm.xlane v35, v12;
	v55 =	vperm.xlane v31, v12;
	v23 =	vshll.u32 v23, $0x4  }
0x20: {  	v56 =	vperm.xlane v32, v12;
	v58 =	vperm.xlane v33, v12;
	v23 =	vor.u32 v10, v23  }
0x21: {  	v20 =	vsel vm14, $0x9, v20;
	v59 =	vperm.xlane v34, v12;
	v62 =	vperm.xlane v28, v16  }
0x22: {  	v24 =	vshll.u32 v24, $0x4;
	v36 =	vshll.u32 v36, $0x4;
	v38 =	vshll.u32 v38, $0x4  }
0x23: {  	v37 =	vshll.u32 v63, $0x4;
	v63 =	vor.u32 v9, v39;
	v27 =	vshll.u32 v27, $0x4  }
0x24: {  	[tilespmem:$0x1FF30] =	vst v0;
	v40 =	vshll.u32 v40, $0x4;
	v41 =	vor.u32 v10, v24;
	v24 =	vshll.u32 v25, $0x4  }
0x25: {  	v25 =	vperm.xlane v32, v0;
	v42 =	vor.u32 v10, v24;
	v24 =	vshll.u32 v26, $0x4;
	v23 =	vld.idx.msk [tilespmem:v23+s3+$0x0], $0xffff  }
0x26: {  	v44 =	vor.u32 v10, v38;
	v45 =	vor.u32 v10, v24;
	v24 =	vor.u32 v13, v37  }
0x27: {  	s7 =	simm.s32 $0x30;
	v48 =	vor.u32 v10, v36;
	v29 =	vor.u32 v13, v27;
	v40 =	vor.u32 v13, v40  }
0x28: {  	v27 =	vor.u32 v3, v39;
	v26 =	vperm.xlane v33, v0;
	v0 =	vmov s7  }
0x29: {  	s5 =	simm.s32 $0x510;
	v27 =	vor.u32 v10, v27;
	v25 =	vshll.u32 v25, $0x4;
	v37 =	vshll.u32 v0, $0x4  }
0x2a: {  	s29 =	simm.s32 $0x10;
	v26 =	vshll.u32 v26, $0x4;
	v46 =	vor.u32 v10, v25;
	[tilespmem:v43+s5+$0x0] =	vst.idx.msk $0xffff, v23;
	v23 =	vor.u32 v6, v39  }
0x2b: {  	s30 =	simm.s32 $0x20;
	v25 =	vmov s29;
	v53 =	vld.idx.msk [tilespmem:v24+s3+$0x0], $0xffff;
	v54 =	vor.u32 v13, v23;
	v23 =	vshll.u32 v60, $0x4  }
0x2c: {  	v47 =	vor.u32 v10, v26;
	v26 =	vmov s30;
	v57 =	vor.u32 v15, v23  }
0x2d: {  	v38 =	vshll.u32 v25, $0x4;
	v25 =	vshll.u32 v50, $0x4;
	v50 =	vshll.u32 v62, $0x4  }
0x2e: {  	v36 =	vshll.u32 v26, $0x4;
	v26 =	vshll.u32 v52, $0x4;
	v50 =	vor.u32 v17, v50;
	[tilespmem:$0x1FF40] =	vst v12  }
0x2f: {  	s31 =	simm.s32 $0x60;
	v52 =	vor.u32 v7, v36;
	v24 =	vshll.u32 v49, $0x4;
	v49 =	vor.u32 v7, v38;
	v41 =	vld.idx.msk [tilespmem:v41+s3+$0x0], $0xffff  }
0x30: {  	v51 =	vmov s31;
	v62 =	vor.u32 v7, v26;
	v42 =	vld.idx.msk [tilespmem:v42+s3+$0x0], $0xffff;
	v49 =	vor.u32 v10, v49;
	[tilespmem:v54+s5+$0x0] =	vst.idx.msk $0xffff, v53  }
0x31: {  	v43 =	vshll.u32 v61, $0x4;
	v23 =	vshll.u32 v51, $0x4;
	v51 =	vor.u32 v15, v63;
	v54 =	vld.idx.msk [tilespmem:v57+s3+$0x0], $0xffff  }
0x32: {  	v52 =	vor.u32 v10, v52;
	v60 =	vor.u32 v7, v25;
	v43 =	vor.u32 v13, v43;
	v44 =	vld.idx.msk [tilespmem:v44+s3+$0x0], $0xffff  }
0x33: {  	v0 =	vor.u32 v7, v24;
	v45 =	vld.idx.msk [tilespmem:v45+s3+$0x0], $0xffff;
	v61 =	vor.u32 v7, v23;
	v53 =	vor.u32 v7, v37  }
0x34: {  	v63 =	vor.u32 v4, v39;
	v61 =	vor.u32 v10, v61;
	[tilespmem:$0x1FF50] =	vst v7;
	v53 =	vor.u32 v10, v53  }
0x35: {  	v56 =	vshll.u32 v56, $0x4;
	v57 =	vor.u32 v10, v0;
	v7 =	vperm.xlane v28, v18;
	[tilespmem:v49+s5+$0x0] =	vst.idx.msk $0xffff, v41  }
0x36: {  	v0 =	vor.u32 v5, v39;
	v46 =	vld.idx.msk [tilespmem:v46+s3+$0x0], $0xffff;
	[tilespmem:v51+s5+$0x0] =	vst.idx.msk $0xffff, v54;
	v54 =	vor.u32 v10, v60  }
0x37: {  	v60 =	vor.u32 v10, v62;
	v62 =	vor.u32 v17, v0;
	v51 =	vshll.u32 v7, $0x4;
	v50 =	vld.idx.msk [tilespmem:v50+s3+$0x0], $0xffff  }
0x38: {  	v59 =	vshll.u32 v59, $0x4;
	[tilespmem:v52+s5+$0x0] =	vst.idx.msk $0xffff, v42;
	v52 =	vor.u32 v13, v56;
	v7 =	vor.u32 v11, v51  }
0x39: {  	v47 =	vld.idx.msk [tilespmem:v47+s3+$0x0], $0xffff;
	v42 =	vor.u32 v13, v59;
	v49 =	vor.u32 v11, v63;
	v56 =	vperm.xlane v31, v14  }
0x3a: {  	v58 =	vshll.u32 v58, $0x4;
	v59 =	vor.u32 v6, v37;
	v63 =	vor.u32 v6, v23;
	[tilespmem:v53+s5+$0x0] =	vst.idx.msk $0xffff, v45  }
0x3b: {  	v20 =	vsel vm4, $0xA, v20;
	v45 =	vor.u32 v13, v58;
	v0 =	vperm.xlane v35, v14;
	[tilespmem:v57+s5+$0x0] =	vst.idx.msk $0xffff, v46  }
0x3c: {  	v55 =	vshll.u32 v55, $0x4;
	v53 =	vperm.xlane v30, v14;
	[tilespmem:v62+s5+$0x0] =	vst.idx.msk $0xffff, v50;
	v62 =	vperm.xlane v28, v19  }
0x3d: {  	v58 =	vor.u32 v6, v36;
	v51 =	vor.u32 v13, v55;
	[tilespmem:v60+s5+$0x0] =	vst.idx.msk $0xffff, v44;
	v41 =	vld.idx.msk [tilespmem:v7+s3+$0x0], $0xffff  }
0x3e: {  	v55 =	vperm.xlane v1, v14;
	v57 =	vperm.xlane v34, v14;
	[tilespmem:v54+s5+$0x0] =	vst.idx.msk $0xffff, v47;
	v44 =	vshll.u32 v62, $0x4  }
0x3f: {  	v47 =	vperm.xlane v32, v14;
	v54 =	vperm.xlane v33, v14;
	v44 =	vor.u32 v10, v44  }
0x40: {  	v60 =	vor.u32 v6, v24;
	v50 =	vshll.u32 v0, $0x4;
	v0 =	vperm.xlane v28, v20  }
0x41: {  	v21 =	vadd.s32 $0xB, v21;
	v7 =	vld.idx.msk [tilespmem:v48+s3+$0x0], $0xffff;
	v48 =	vor.u32 v6, v38;
	[tilespmem:$0x1FF60] =	vst v14;
	v50 =	vor.u32 v15, v50  }
0x42: {  	v56 =	vshll.u32 v56, $0x4;
	v54 =	vshll.u32 v54, $0x4;
	v62 =	vor.u32 v6, v26;
	v43 =	vld.idx.msk [tilespmem:v43+s3+$0x0], $0xffff;
	[tilespmem:v49+s5+$0x0] =	vst.idx.msk $0xffff, v41  }
0x43: {  	v48 =	vor.u32 v13, v48;
	v49 =	vor.u32 v6, v25;
	[tilespmem:$0x1FF70] =	vst v6;
	v6 =	vor.u32 v13, v62  }
0x44: {  	v41 =	vshll.u32 v0, $0x4;
	v0 =	vshll.u32 v55, $0x4;
	v55 =	vor.u32 v13, v58;
	v44 =	vld.idx.msk [tilespmem:v44+s3+$0x0], $0xffff  }
0x45: {  	v58 =	vor.u32 v13, v59;
	v59 =	vor.u32 v13, v60;
	v60 =	vor.u32 v9, v38;
	v29 =	vld.idx.msk [tilespmem:v29+s3+$0x0], $0xffff  }
0x46: {  	v41 =	vor.u32 v13, v41;
	v49 =	vor.u32 v13, v49;
	[tilespmem:v61+s5+$0x0] =	vst.idx.msk $0xffff, v7;
	v40 =	vld.idx.msk [tilespmem:v40+s3+$0x0], $0xffff  }
0x47: {  	v7 =	vshll.u32 v53, $0x4;
	v51 =	vld.idx.msk [tilespmem:v51+s3+$0x0], $0xffff;
	v61 =	vor.u32 v13, v63;
	v53 =	vor.u32 v15, v0  }
0x48: {  	v63 =	vshll.u32 v47, $0x4;
	v47 =	vor.u32 v15, v54;
	v46 =	vor.u32 v15, v7;
	[tilespmem:v6+s5+$0x0] =	vst.idx.msk $0xffff, v43  }
0x49: {  	v22 =	vimm.s32 $0xD0D0C0C;
	v52 =	vld.idx.msk [tilespmem:v52+s3+$0x0], $0xffff;
	v7 =	vperm.xlane v28, v21;
	v43 =	vperm.xlane v30, v16;
	[tilespmem:v27+s5+$0x0] =	vst.idx.msk $0xffff, v44  }
0x4a: {  	v22 =	vunpack.c.0.s8.s32 v22;
	v27 =	vor.u32 v2, v39;
	[tilespmem:v48+s5+$0x0] =	vst.idx.msk $0xffff, v29;
	v48 =	vor.u32 v15, v56  }
0x4b: {  	[tilespmem:v55+s5+$0x0] =	vst.idx.msk $0xffff, v40;
	v44 =	vor.u32 v15, v63;
	v55 =	vperm.xlane v35, v16  }
0x4c: {  	v22 =	vnsel vm14, $0xE, v22;
	[tilespmem:v58+s5+$0x0] =	vst.idx.msk $0xffff, v51;
	v29 =	vld.idx.msk [tilespmem:v41+s3+$0x0], $0xffff;
	v0 =	vor.u32 v13, v27;
	v27 =	vshll.u32 v7, $0x4  }
0x4d: {  	v51 =	vperm.xlane v1, v16;
	v56 =	vperm.xlane v31, v16;
	v62 =	vor.u32 v15, v27  }
0x4e: {  	v45 =	vld.idx.msk [tilespmem:v45+s3+$0x0], $0xffff;
	v63 =	vimm.s32 $0xF;
	[tilespmem:v59+s5+$0x0] =	vst.idx.msk $0xffff, v52;
	v58 =	vperm.xlane v33, v16;
	v59 =	vperm.xlane v34, v16  }
0x4f: {  	v42 =	vld.idx.msk [tilespmem:v42+s3+$0x0], $0xffff;
	v41 =	vperm.xlane v32, v16;
	v27 =	vshll.u32 v57, $0x4;
	v55 =	vshll.u32 v55, $0x4  }
0x50: {  	v54 =	vor.u32 v15, v27;
	v27 =	vsel vm0, $0xE, v63;
	v63 =	vor.u32 v9, v26  }
0x51: {  	v41 =	vshll.u32 v41, $0x4;
	v55 =	vor.u32 v17, v55;
	v63 =	vor.u32 v15, v63;
	[tilespmem:v0+s5+$0x0] =	vst.idx.msk $0xffff, v29  }
0x52: {  	v22 =	vsel vm15, $0xD, v22;
	v41 =	vor.u32 v17, v41;
	v29 =	vor.u32 v8, v39;
	v40 =	vld.idx.msk [tilespmem:v62+s3+$0x0], $0xffff;
	[tilespmem:$0x1FF80] =	vst v16  }
0x53: {  	v0 =	vperm.xlane v28, v22;
	v29 =	vor.u32 v15, v29;
	[tilespmem:v49+s5+$0x0] =	vst.idx.msk $0xffff, v45  }
0x54: {  	v28 =	vperm.xlane v28, v27;
	v62 =	vor.u32 v9, v24;
	[tilespmem:v61+s5+$0x0] =	vst.idx.msk $0xffff, v42  }
0x55: {  	v45 =	vor.u32 v9, v36;
	v7 =	vshll.u32 v0, $0x4;
	v0 =	vor.u32 v9, v37;
	[tilespmem:$0x1FF90] =	vst v9  }
0x56: {  	v42 =	vor.u32 v9, v25;
	v61 =	vor.u32 v9, v23;
	v45 =	vor.u32 v15, v45;
	v53 =	vld.idx.msk [tilespmem:v53+s3+$0x0], $0xffff  }
0x57: {  	v49 =	vor.u32 v17, v7;
	v42 =	vor.u32 v15, v42;
	v61 =	vor.u32 v15, v61;
	v50 =	vld.idx.msk [tilespmem:v50+s3+$0x0], $0xffff  }
0x58: {  	v46 =	vld.idx.msk [tilespmem:v46+s3+$0x0], $0xffff;
	[tilespmem:v29+s5+$0x0] =	vst.idx.msk $0xffff, v40;
	v29 =	vshll.u32 v43, $0x4;
	v40 =	vshll.u32 v51, $0x4;
	v43 =	vshll.u32 v56, $0x4  }
0x59: {  	v48 =	vld.idx.msk [tilespmem:v48+s3+$0x0], $0xffff;
	v51 =	vor.u32 v15, v60;
	v56 =	vor.u32 v15, v0;
	v60 =	vor.u32 v15, v62  }
0x5a: {  	v6 =	vmovc v30;
	v62 =	vor.u32 v5, v37;
	v0 =	vld [tilespmem:$0x1FFA0];
	v30 =	vor.u32 v17, v29;
	v40 =	vor.u32 v17, v40  }
0x5b: {  	v44 =	vld.idx.msk [tilespmem:v44+s3+$0x0], $0xffff;
	v43 =	vor.u32 v17, v43;
	v29 =	vor.u32 v5, v25;
	[tilespmem:v45+s5+$0x0] =	vst.idx.msk $0xffff, v53  }
0x5c: {  	v59 =	vshll.u32 v59, $0x4;
	v62 =	vor.u32 v17, v62;
	v29 =	vor.u32 v17, v29;
	[tilespmem:v63+s5+$0x0] =	vst.idx.msk $0xffff, v50  }
0x5d: {  	v50 =	vperm.xlane v31, v18;
	v53 =	vperm.xlane v32, v18;
	v63 =	vor.u32 v5, v24  }
0x5e: {  	[tilespmem:v51+s5+$0x0] =	vst.idx.msk $0xffff, v46;
	v51 =	vperm.xlane v35, v18;
	v46 =	vor.u32 v17, v59  }
0x5f: {  	v28 =	vshll.u32 v28, $0x4;
	[tilespmem:v56+s5+$0x0] =	vst.idx.msk $0xffff, v48;
	v48 =	vperm.xlane v1, v18;
	v7 =	vor.u32 v0, v39  }
0x60: {  	v52 =	vimm.s32 $0xF0;
	v49 =	vld.idx.msk [tilespmem:v49+s3+$0x0], $0xffff;
	[tilespmem:v60+s5+$0x0] =	vst.idx.msk $0xffff, v44;
	v60 =	vor.u32 v5, v23;
	v57 =	vor.u32 v17, v7  }
0x61: {  	v59 =	vor.u32 v4, v37;
	v7 =	vor.u32 v11, v28;
	v28 =	vshll.u32 v58, $0x4  }
0x62: {  	v47 =	vld.idx.msk [tilespmem:v47+s3+$0x0], $0xffff;
	v58 =	vor.u32 v5, v38;
	v44 =	vshll.u32 v51, $0x4;
	v51 =	vor.u32 v5, v26  }
0x63: {  	v45 =	vor.u32 v17, v28;
	v28 =	vsel vm0, $0xE0, v52;
	v52 =	vld.idx.msk [tilespmem:v54+s3+$0x0], $0xffff;
	v54 =	vperm.xlane v33, v18  }
0x64: {  	v51 =	vor.u32 v17, v51;
	v44 =	vor.u32 v11, v44;
	v39 =	vor.u32 v28, v39  }
0x65: {  	v39 =	vor.u32 v11, v39;
	[tilespmem:v57+s5+$0x0] =	vst.idx.msk $0xffff, v49;
	v49 =	vperm.xlane v6, v18  }
0x66: {  	v57 =	vperm.xlane v34, v18;
	v56 =	vld.idx.msk [tilespmem:v7+s3+$0x0], $0xffff;
	v7 =	vor.u32 v5, v36;
	[tilespmem:$0x1FFB0] =	vst v5  }
0x67: {  	v5 =	vor.u32 v17, v58;
	v58 =	vor.u32 v4, v38;
	[tilespmem:v42+s5+$0x0] =	vst.idx.msk $0xffff, v47;
	v42 =	vshll.u32 v49, $0x4  }
0x68: {  	v47 =	vshll.u32 v48, $0x4;
	v48 =	vshll.u32 v50, $0x4;
	v49 =	vshll.u32 v53, $0x4  }
0x69: {  	v30 =	vld.idx.msk [tilespmem:v30+s3+$0x0], $0xffff;
	[tilespmem:v61+s5+$0x0] =	vst.idx.msk $0xffff, v52;
	v50 =	vshll.u32 v54, $0x4;
	v7 =	vor.u32 v17, v7;
	v61 =	vshll.u32 v57, $0x4  }
0x6a: {  	v40 =	vld.idx.msk [tilespmem:v40+s3+$0x0], $0xffff;
	v57 =	vor.u32 v17, v60;
	v52 =	vperm.xlane v6, v19;
	v60 =	vor.u32 v4, v24  }
0x6b: {  	v55 =	vld.idx.msk [tilespmem:v55+s3+$0x0], $0xffff;
	v54 =	vor.u32 v11, v59;
	v42 =	vor.u32 v11, v42;
	v47 =	vor.u32 v11, v47  }
0x6c: {  	v43 =	vld.idx.msk [tilespmem:v43+s3+$0x0], $0xffff;
	v48 =	vor.u32 v11, v48;
	v49 =	vor.u32 v11, v49;
	v50 =	vor.u32 v11, v50  }
0x6d: {  	v53 =	vor.u32 v11, v61;
	v61 =	vor.u32 v4, v25;
	v52 =	vshll.u32 v52, $0x4;
	[tilespmem:v39+s5+$0x0] =	vst.idx.msk $0xffff, v56  }
0x6e: {  	v52 =	vor.u32 v10, v52;
	v56 =	vor.u32 v17, v63;
	v39 =	vld.idx.msk [tilespmem:v45+s3+$0x0], $0xffff;
	[tilespmem:v5+s5+$0x0] =	vst.idx.msk $0xffff, v30  }
0x6f: {  	v63 =	vperm.xlane v35, v19;
	v45 =	vperm.xlane v31, v19;
	v30 =	vld.idx.msk [tilespmem:v41+s3+$0x0], $0xffff;
	[tilespmem:v7+s5+$0x0] =	vst.idx.msk $0xffff, v40  }
0x70: {  	v40 =	vperm.xlane v1, v19;
	[tilespmem:v51+s5+$0x0] =	vst.idx.msk $0xffff, v55;
	v51 =	vperm.xlane v32, v19  }
0x71: {  	v55 =	vperm.xlane v33, v19;
	v5 =	vperm.xlane v34, v19;
	v7 =	vor.u32 v4, v36  }
0x72: {  	[tilespmem:v62+s5+$0x0] =	vst.idx.msk $0xffff, v43;
	v62 =	vor.u32 v11, v60;
	v60 =	vperm.xlane v32, v20;
	v41 =	vshll.u32 v63, $0x4  }
0x73: {  	v46 =	vld.idx.msk [tilespmem:v46+s3+$0x0], $0xffff;
	v7 =	vor.u32 v11, v7;
	v63 =	vshll.u32 v51, $0x4;
	v43 =	vshll.u32 v5, $0x4  }
0x74: {  	v5 =	vor.u32 v11, v58;
	v41 =	vor.u32 v10, v41;
	v60 =	vshll.u32 v60, $0x4;
	[tilespmem:v56+s5+$0x0] =	vst.idx.msk $0xffff, v30  }
0x75: {  	v43 =	vor.u32 v10, v43;
	v51 =	vor.u32 v13, v60;
	v60 =	vor.u32 v2, v37;
	[tilespmem:$0x1FFC0] =	vst v4  }
0x76: {  	v30 =	vor.u32 v4, v26;
	v56 =	vor.u32 v4, v23;
	v4 =	vshll.u32 v55, $0x4;
	v42 =	vld.idx.msk [tilespmem:v42+s3+$0x0], $0xffff  }
0x77: {  	v56 =	vor.u32 v11, v56;
	v30 =	vor.u32 v11, v30;
	[tilespmem:v29+s5+$0x0] =	vst.idx.msk $0xffff, v39;
	v47 =	vld.idx.msk [tilespmem:v47+s3+$0x0], $0xffff  }
0x78: {  	v29 =	vshll.u32 v40, $0x4;
	v39 =	vshll.u32 v45, $0x4;
	[tilespmem:v57+s5+$0x0] =	vst.idx.msk $0xffff, v46;
	v44 =	vld.idx.msk [tilespmem:v44+s3+$0x0], $0xffff;
	v57 =	vor.u32 v11, v61  }
0x79: {  	v48 =	vld.idx.msk [tilespmem:v48+s3+$0x0], $0xffff;
	v40 =	vor.u32 v10, v63;
	v63 =	vperm.xlane v35, v20;
	v45 =	vor.u32 v10, v4  }
0x7a: {  	v49 =	vld.idx.msk [tilespmem:v49+s3+$0x0], $0xffff;
	v46 =	vperm.xlane v6, v20;
	v61 =	vor.u32 v3, v38;
	v29 =	vor.u32 v10, v29  }
0x7b: {  	v39 =	vor.u32 v10, v39;
	v4 =	vld.idx.msk [tilespmem:v50+s3+$0x0], $0xffff;
	v50 =	vperm.xlane v1, v20;
	v61 =	vor.u32 v10, v61  }
0x7c: {  	v58 =	vshll.u32 v63, $0x4;
	v63 =	vor.u32 v3, v23;
	v46 =	vshll.u32 v46, $0x4;
	[tilespmem:v5+s5+$0x0] =	vst.idx.msk $0xffff, v42  }
0x7d: {  	v46 =	vor.u32 v13, v46;
	[tilespmem:v7+s5+$0x0] =	vst.idx.msk $0xffff, v47;
	v7 =	vperm.xlane v31, v20  }
0x7e: {  	[tilespmem:v30+s5+$0x0] =	vst.idx.msk $0xffff, v44;
	v30 =	vperm.xlane v33, v20;
	v44 =	vperm.xlane v34, v20  }
0x7f: {  	[tilespmem:v54+s5+$0x0] =	vst.idx.msk $0xffff, v48;
	v48 =	vor.u32 v3, v36;
	v54 =	vor.u32 v3, v37  }
0x80: {  	[tilespmem:v62+s5+$0x0] =	vst.idx.msk $0xffff, v49;
	v49 =	vor.u32 v3, v24;
	v62 =	vor.u32 v3, v25  }
0x81: {  	v5 =	vld.idx.msk [tilespmem:v53+s3+$0x0], $0xffff;
	v42 =	vor.u32 v10, v63;
	v63 =	vperm.xlane v35, v21;
	[tilespmem:v57+s5+$0x0] =	vst.idx.msk $0xffff, v4  }
0x82: {  	v53 =	vperm.xlane v31, v22;
	v4 =	vor.u32 v3, v26;
	v48 =	vor.u32 v10, v48;
	[tilespmem:$0x1FFD0] =	vst v3  }
0x83: {  	v54 =	vor.u32 v10, v54;
	v49 =	vor.u32 v10, v49;
	v55 =	vor.u32 v10, v62;
	v52 =	vld.idx.msk [tilespmem:v52+s3+$0x0], $0xffff  }
0x84: {  	v57 =	vor.u32 v13, v58;
	v7 =	vshll.u32 v7, $0x4;
	v30 =	vshll.u32 v30, $0x4;
	v29 =	vld.idx.msk [tilespmem:v29+s3+$0x0], $0xffff  }
0x85: {  	v44 =	vshll.u32 v44, $0x4;
	v62 =	vor.u32 v10, v4;
	v3 =	vor.u32 v2, v38;
	v41 =	vld.idx.msk [tilespmem:v41+s3+$0x0], $0xffff  }
0x86: {  	v4 =	vperm.xlane v32, v21;
	v58 =	vshll.u32 v63, $0x4;
	v63 =	vor.u32 v2, v23;
	v39 =	vld.idx.msk [tilespmem:v39+s3+$0x0], $0xffff  }
0x87: {  	v30 =	vor.u32 v13, v30;
	v40 =	vld.idx.msk [tilespmem:v40+s3+$0x0], $0xffff;
	v44 =	vor.u32 v13, v44;
	[tilespmem:v56+s5+$0x0] =	vst.idx.msk $0xffff, v5  }
0x88: {  	v45 =	vld.idx.msk [tilespmem:v45+s3+$0x0], $0xffff;
	v5 =	vshll.u32 v50, $0x4;
	v50 =	vor.u32 v13, v7;
	[tilespmem:v61+s5+$0x0] =	vst.idx.msk $0xffff, v52  }
0x89: {  	v7 =	vor.u32 v2, v36;
	v47 =	vor.u32 v13, v5;
	[tilespmem:v48+s5+$0x0] =	vst.idx.msk $0xffff, v29  }
0x8a: {  	v43 =	vld.idx.msk [tilespmem:v43+s3+$0x0], $0xffff;
	v5 =	vperm.xlane v33, v21;
	v7 =	vor.u32 v13, v7;
	[tilespmem:v62+s5+$0x0] =	vst.idx.msk $0xffff, v41  }
0x8b: {  	v52 =	vperm.xlane v6, v21;
	v29 =	vperm.xlane v1, v21;
	[tilespmem:v54+s5+$0x0] =	vst.idx.msk $0xffff, v39  }
0x8c: {  	v48 =	vperm.xlane v31, v21;
	v41 =	vor.u32 v13, v3;
	[tilespmem:v49+s5+$0x0] =	vst.idx.msk $0xffff, v40  }
0x8d: {  	v39 =	vperm.xlane v34, v21;
	v49 =	vor.u32 v2, v24;
	[tilespmem:v55+s5+$0x0] =	vst.idx.msk $0xffff, v45  }
0x8e: {  	v61 =	vor.u32 v2, v25;
	v62 =	vor.u32 v2, v26;
	v40 =	vor.u32 v13, v60  }
0x8f: {  	v4 =	vshll.u32 v4, $0x4;
	v31 =	vperm.xlane v31, v27;
	v54 =	vor.u32 v0, v37;
	[tilespmem:v42+s5+$0x0] =	vst.idx.msk $0xffff, v43  }
0x90: {  	v5 =	vshll.u32 v5, $0x4;
	v46 =	vld.idx.msk [tilespmem:v46+s3+$0x0], $0xffff;
	v49 =	vor.u32 v13, v49;
	v45 =	vor.u32 v13, v61;
	[tilespmem:$0x1FFE0] =	vst v2  }
0x91: {  	v61 =	vor.u32 v13, v62;
	v62 =	vor.u32 v15, v58;
	v29 =	vshll.u32 v29, $0x4;
	v47 =	vld.idx.msk [tilespmem:v47+s3+$0x0], $0xffff  }
0x92: {  	v3 =	vshll.u32 v48, $0x4;
	v39 =	vshll.u32 v39, $0x4;
	v48 =	vor.u32 v15, v5;
	v60 =	vld.idx.msk [tilespmem:v57+s3+$0x0], $0xffff  }
0x93: {  	v5 =	vor.u32 v8, v26;
	v42 =	vor.u32 v13, v63;
	v29 =	vor.u32 v15, v29;
	v50 =	vld.idx.msk [tilespmem:v50+s3+$0x0], $0xffff  }
0x94: {  	v63 =	vperm.xlane v35, v22;
	v39 =	vor.u32 v15, v39;
	v2 =	vshll.u32 v52, $0x4;
	v51 =	vld.idx.msk [tilespmem:v51+s3+$0x0], $0xffff  }
0x95: {  	v35 =	vperm.xlane v35, v27;
	v52 =	vperm.xlane v1, v22;
	v43 =	vor.u32 v15, v2;
	v30 =	vld.idx.msk [tilespmem:v30+s3+$0x0], $0xffff  }
0x96: {  	v2 =	vor.u32 v8, v38;
	v56 =	vshll.u32 v63, $0x4;
	v63 =	vor.u32 v8, v25;
	[tilespmem:v41+s5+$0x0] =	vst.idx.msk $0xffff, v46  }
0x97: {  	v44 =	vld.idx.msk [tilespmem:v44+s3+$0x0], $0xffff;
	v41 =	vor.u32 v15, v3;
	v46 =	vor.u32 v15, v4;
	[tilespmem:v7+s5+$0x0] =	vst.idx.msk $0xffff, v47  }
0x98: {  	v3 =	vor.u32 v8, v36;
	v4 =	vor.u32 v15, v2;
	[tilespmem:v61+s5+$0x0] =	vst.idx.msk $0xffff, v60  }
0x99: {  	v2 =	vor.u32 v8, v23;
	v47 =	vperm.xlane v6, v22;
	[tilespmem:v40+s5+$0x0] =	vst.idx.msk $0xffff, v50  }
0x9a: {  	[tilespmem:v49+s5+$0x0] =	vst.idx.msk $0xffff, v51;
	v40 =	vor.u32 v15, v3;
	v7 =	vperm.xlane v32, v22  }
0x9b: {  	v43 =	vld.idx.msk [tilespmem:v43+s3+$0x0], $0xffff;
	v60 =	vperm.xlane v33, v22;
	v49 =	vor.u32 v15, v5;
	[tilespmem:v45+s5+$0x0] =	vst.idx.msk $0xffff, v30  }
0x9c: {  	v30 =	vperm.xlane v34, v22;
	v61 =	vor.u32 v8, v37;
	[tilespmem:v42+s5+$0x0] =	vst.idx.msk $0xffff, v44;
	v3 =	vshll.u32 v52, $0x4  }
0x9d: {  	v44 =	vor.u32 v15, v63;
	v32 =	vperm.xlane v32, v27;
	v33 =	vperm.xlane v33, v27;
	v29 =	vld.idx.msk [tilespmem:v29+s3+$0x0], $0xffff  }
0x9e: {  	v34 =	vperm.xlane v34, v27;
	v55 =	vld.idx.msk [tilespmem:v62+s3+$0x0], $0xffff;
	v62 =	vor.u32 v8, v24;
	v45 =	vor.u32 v15, v61  }
0x9f: {  	v50 =	vor.u32 v17, v3;
	v61 =	vor.u32 v0, v38;
	v47 =	vshll.u32 v47, $0x4  }
0xa0: {  	v5 =	vshll.u32 v60, $0x4;
	v42 =	vor.u32 v15, v62;
	v60 =	vperm.xlane v1, v27;
	[tilespmem:v4+s5+$0x0] =	vst.idx.msk $0xffff, v43  }
0xa1: {  	v63 =	vor.u32 v17, v61;
	v1 =	vor.u32 v0, v23;
	v47 =	vor.u32 v17, v47;
	[tilespmem:$0x1FFF0] =	vst v8  }
0xa2: {  	v30 =	vshll.u32 v30, $0x4;
	v4 =	vshll.u32 v7, $0x4;
	v7 =	vor.u32 v17, v56;
	[tilespmem:v40+s5+$0x0] =	vst.idx.msk $0xffff, v29;
	v41 =	vld.idx.msk [tilespmem:v41+s3+$0x0], $0xffff  }
0xa3: {  	v3 =	vshll.u32 v60, $0x4;
	v43 =	vor.u32 v15, v2;
	v29 =	vshll.u32 v53, $0x4;
	[tilespmem:v49+s5+$0x0] =	vst.idx.msk $0xffff, v55;
	v48 =	vld.idx.msk [tilespmem:v48+s3+$0x0], $0xffff  }
0xa4: {  	v40 =	vor.u32 v17, v4;
	v53 =	vor.u32 v17, v30;
	v30 =	vperm.xlane v6, v27;
	v39 =	vld.idx.msk [tilespmem:v39+s3+$0x0], $0xffff  }
0xa5: {  	v55 =	vshll.u32 v35, $0x4;
	v35 =	vor.u32 v0, v24;
	v52 =	vor.u32 v17, v29;
	v29 =	vld.idx.msk [tilespmem:v46+s3+$0x0], $0xffff  }
0xa6: {  	v4 =	vshll.u32 v31, $0x4;
	v46 =	vor.u32 v17, v5;
	v62 =	vld.idx.msk [tilespmem:v47+s3+$0x0], $0xffff;
	v47 =	vor.u32 v0, v36  }
0xa7: {  	v6 =	vshll.u32 v33, $0x4;
	v49 =	vor.u32 v11, v55;
	v2 =	vshll.u32 v30, $0x4;
	v30 =	vld.idx.msk [tilespmem:v7+s3+$0x0], $0xffff;
	[tilespmem:v45+s5+$0x0] =	vst.idx.msk $0xffff, v41  }
0xa8: {  	v7 =	vshll.u32 v34, $0x4;
	v34 =	vor.u32 v17, v1;
	[tilespmem:v44+s5+$0x0] =	vst.idx.msk $0xffff, v48;
	v48 =	vor.u32 v0, v26  }
0xa9: {  	v5 =	vshll.u32 v32, $0x4;
	[tilespmem:v43+s5+$0x0] =	vst.idx.msk $0xffff, v39;
	v44 =	vor.u32 v17, v47;
	v43 =	vor.u32 v17, v54  }
0xaa: {  	v41 =	vor.u32 v17, v35;
	v47 =	vor.u32 v11, v3;
	[tilespmem:v42+s5+$0x0] =	vst.idx.msk $0xffff, v29;
	v29 =	vld.idx.msk [tilespmem:v50+s3+$0x0], $0xffff  }
0xab: {  	v45 =	vor.u32 v11, v6;
	v42 =	vor.u32 v0, v25;
	[tilespmem:v63+s5+$0x0] =	vst.idx.msk $0xffff, v62;
	v31 =	vld.idx.msk [tilespmem:v52+s3+$0x0], $0xffff  }
0xac: {  	v51 =	vor.u32 v17, v48;
	v48 =	vor.u32 v11, v2;
	v33 =	vld.idx.msk [tilespmem:v46+s3+$0x0], $0xffff;
	v46 =	vor.u32 v11, v5  }
0xad: {  	v52 =	vor.u32 v28, v38;
	v50 =	vld.idx.msk [tilespmem:v53+s3+$0x0], $0xffff;
	v53 =	vor.u32 v28, v36;
	v35 =	vor.u32 v17, v42  }
0xae: {  	s6 =	simm.s32 $0x0;
	s7 =	simm.s32 $0xC0;
	v36 =	vor.u32 v28, v37;
	v32 =	vld.idx.msk [tilespmem:v40+s3+$0x0], $0xffff;
	v40 =	vor.u32 v11, v4;
	v42 =	vor.u32 v11, v7  }
.LBB2_1:
0xaf: {  	v39 =	vld [tilespmem:s7+$0x30]  }
0xb0: {  	v0 =	vld [tilespmem:$0x1FF30]  }
0xb1: {  	v8 =	vld [tilespmem:$0x1FF40]  }
0xb2: {  	v14 =	vld [tilespmem:$0x1FF50];
	[tilespmem:v35+s5+$0x0] =	vst.idx.msk $0xffff, v33  }
0xb3: {  	[tilespmem:v44+s5+$0x0] =	vst.idx.msk $0xffff, v29;
	v29 =	vld [tilespmem:s7+$0xFFFFFFD0]  }
0xb4: {  	[tilespmem:v51+s5+$0x0] =	vst.idx.msk $0xffff, v30;
	v33 =	vld [tilespmem:s7+$0x10]  }
0xb5: {  	v24 =	vor.u32 v28, v24;
	v25 =	vor.u32 v28, v25;
	s4 =	sadd.s32 $0x80, s4;
	v35 =	vld [tilespmem:s7+$0xFFFFFFC0]  }
0xb6: {  	v26 =	vor.u32 v28, v26;
	v23 =	vor.u32 v28, v23;
	v37 =	vor.u32 v11, v52;
	s10 =	sadd.s32 $0x70, s4;
	v38 =	vld.idx.msk [tilespmem:v49+s3+$0x0], $0xffff  }
0xb7: {  	v52 =	vor.u32 v11, v36;
	s12 =	sadd.s32 $0x40, s4;
	v56 =	vmov s10;
	v51 =	vor.u32 v11, v53;
	[tilespmem:v43+s5+$0x0] =	vst.idx.msk $0xffff, v31;
	v30 =	vld [tilespmem:s7+$0xFFFFFFE0]  }
0xb8: {  	v61 =	vmov s12;
	[tilespmem:v41+s5+$0x0] =	vst.idx.msk $0xffff, v32;
	v41 =	vor.u32 v11, v23;
	v31 =	vld [tilespmem:s7+$0xFFFFFFF0];
	v23 =	vperm.xlane v39, v0  }
0xb9: {  	v44 =	vor.u32 v11, v24;
	v24 =	vor.u32 v11, v26;
	v32 =	vld [tilespmem:s7+$0x0];
	v6 =	vperm.xlane v39, v8  }
0xba: {  	v43 =	vor.u32 v11, v25;
	[tilespmem:v34+s5+$0x0] =	vst.idx.msk $0xffff, v50;
	v57 =	vld.idx.msk [tilespmem:v40+s3+$0x0], $0xffff;
	v40 =	vshll.u32 v56, $0x4;
	v23 =	vshll.u32 v23, $0x4  }
0xbb: {  	v34 =	vld [tilespmem:s7+$0x20];
	v59 =	vor.u32 v14, v40;
	v56 =	vshll.u32 v6, $0x4;
	v23 =	vor.u32 v10, v23  }
0xbc: {  	s9 =	sadd.s32 $0x20, s4;
	v7 =	vor.u32 v13, v56;
	v25 =	vperm.xlane v29, v0;
	v50 =	vperm.xlane v29, v8  }
0xbd: {  	v48 =	vld.idx.msk [tilespmem:v48+s3+$0x0], $0xffff;
	s8 =	sadd.s32 $0x10, s4;
	v56 =	vmov s9;
	v54 =	vperm.xlane v33, v0;
	v58 =	vperm.xlane v35, v0  }
0xbe: {  	v16 =	vld [tilespmem:$0x1FF60];
	[tilespmem:v24+s5+$0x0] =	vst.idx.msk $0xffff, v38;
	v38 =	vmov s8;
	v26 =	vperm.xlane v30, v0;
	v53 =	vperm.xlane v30, v8  }
0xbf: {  	v12 =	vld [tilespmem:$0x1FF70];
	v4 =	vperm.xlane v31, v0;
	v5 =	vperm.xlane v32, v0;
	v25 =	vshll.u32 v25, $0x4  }
0xc0: {  	v45 =	vld.idx.msk [tilespmem:v45+s3+$0x0], $0xffff;
	v55 =	vperm.xlane v34, v0;
	v58 =	vshll.u32 v58, $0x4;
	v25 =	vor.u32 v10, v25  }
0xc1: {  	v47 =	vld.idx.msk [tilespmem:v47+s3+$0x0], $0xffff;
	v0 =	vperm.xlane v35, v8;
	v1 =	vperm.xlane v31, v8;
	v24 =	vor.u32 v10, v58  }
0xc2: {  	v46 =	vld.idx.msk [tilespmem:v46+s3+$0x0], $0xffff;
	v2 =	vperm.xlane v32, v8;
	v54 =	vshll.u32 v54, $0x4;
	v26 =	vshll.u32 v26, $0x4  }
0xc3: {  	v42 =	vld.idx.msk [tilespmem:v42+s3+$0x0], $0xffff;
	v36 =	vshll.u32 v4, $0x4;
	v49 =	vshll.u32 v5, $0x4;
	v26 =	vor.u32 v10, v26  }
0xc4: {  	v55 =	vshll.u32 v55, $0x4;
	v54 =	vor.u32 v10, v54;
	v23 =	vld.idx.msk [tilespmem:v23+s3+$0x0], $0xffff;
	v49 =	vor.u32 v10, v49  }
0xc5: {  	v5 =	vperm.xlane v33, v8;
	v8 =	vperm.xlane v34, v8;
	v0 =	vshll.u32 v0, $0x4;
	v60 =	vld.idx.msk [tilespmem:v25+s3+$0x0], $0xffff  }
0xc6: {  	v1 =	vshll.u32 v1, $0x4;
	v55 =	vor.u32 v10, v55;
	v25 =	vor.u32 v10, v59;
	v4 =	vld.idx.msk [tilespmem:v24+s3+$0x0], $0xffff  }
0xc7: {  	v2 =	vshll.u32 v2, $0x4;
	v0 =	vor.u32 v13, v0;
	v24 =	vshll.u32 v61, $0x4;
	v61 =	vld [tilespmem:$0x1FF90]  }
0xc8: {  	s11 =	sadd.s32 $0x30, s4;
	v1 =	vor.u32 v13, v1;
	v2 =	vor.u32 v13, v2;
	v5 =	vshll.u32 v5, $0x4;
	v58 =	vld.idx.msk [tilespmem:v26+s3+$0x0], $0xffff  }
0xc9: {  	v5 =	vor.u32 v13, v5;
	v59 =	vmov s11;
	[tilespmem:v37+s5+$0x0] =	vst.idx.msk $0xffff, v48;
	v37 =	vshll.u32 v56, $0x4;
	v49 =	vld.idx.msk [tilespmem:v49+s3+$0x0], $0xffff  }
0xca: {  	s13 =	sadd.s32 $0x50, s4;
	v26 =	vor.u32 v10, v36;
	v36 =	vshll.u32 v38, $0x4;
	v38 =	vshll.u32 v59, $0x4;
	[tilespmem:v51+s5+$0x0] =	vst.idx.msk $0xffff, v47;
	v47 =	vld.idx.msk [tilespmem:v54+s3+$0x0], $0xffff  }
0xcb: {  	v62 =	vmov s13;
	v51 =	vor.u32 v14, v37;
	v54 =	vld.idx.msk [tilespmem:v55+s3+$0x0], $0xffff;
	[tilespmem:v25+s5+$0x0] =	vst.idx.msk $0xffff, v23;
	v23 =	vperm.xlane v39, v16  }
0xcc: {  	v48 =	vmov s4;
	v55 =	vor.u32 v14, v24;
	[tilespmem:v44+s5+$0x0] =	vst.idx.msk $0xffff, v46;
	v25 =	vor.u32 v12, v40;
	v3 =	vld.idx.msk [tilespmem:v7+s3+$0x0], $0xffff  }
0xcd: {  	[tilespmem:v43+s5+$0x0] =	vst.idx.msk $0xffff, v45;
	v6 =	vor.u32 v13, v25;
	v25 =	vshll.u32 v62, $0x4;
	v62 =	vld [tilespmem:$0x1FF80];
	v23 =	vshll.u32 v23, $0x4  }
0xce: {  	v44 =	vshll.u32 v50, $0x4;
	v46 =	vshll.u32 v53, $0x4;
	[tilespmem:v41+s5+$0x0] =	vst.idx.msk $0xffff, v42;
	v9 =	vor.u32 v15, v23  }
0xcf: {  	v53 =	vperm.xlane v35, v16;
	v42 =	vor.u32 v10, v51;
	v50 =	vor.u32 v12, v38  }
0xd0: {  	v45 =	vor.u32 v10, v55;
	v44 =	vor.u32 v13, v44;
	v50 =	vor.u32 v13, v50  }
0xd1: {  	v7 =	vld.idx.msk [tilespmem:v26+s3+$0x0], $0xffff;
	v26 =	vshll.u32 v48, $0x4;
	[tilespmem:v52+s5+$0x0] =	vst.idx.msk $0xffff, v57;
	v48 =	vor.u32 v14, v36  }
0xd2: {  	v57 =	vor.u32 v61, v40;
	[tilespmem:v6+s5+$0x0] =	vst.idx.msk $0xffff, v3;
	v3 =	vperm.xlane v39, v62  }
0xd3: {  	v52 =	vor.u32 v14, v38;
	v57 =	vor.u32 v15, v57;
	v41 =	vor.u32 v10, v48;
	v9 =	vld.idx.msk [tilespmem:v9+s3+$0x0], $0xffff  }
0xd4: {  	v59 =	vld [tilespmem:$0x1FFB0];
	v43 =	vor.u32 v10, v52;
	v52 =	vor.u32 v13, v46;
	v3 =	vshll.u32 v3, $0x4  }
0xd5: {  	s31 =	sadd.s32 $0x60, s4;
	[tilespmem:v42+s5+$0x0] =	vst.idx.msk $0xffff, v58;
	v42 =	vperm.xlane v30, v16;
	v3 =	vor.u32 v17, v3  }
0xd6: {  	v63 =	vmov s31;
	[tilespmem:v45+s5+$0x0] =	vst.idx.msk $0xffff, v49;
	v46 =	vor.u32 v12, v36;
	v49 =	vor.u32 v12, v37  }
0xd7: {  	v23 =	vshll.u32 v63, $0x4;
	v63 =	vor.u32 v14, v26;
	v46 =	vor.u32 v13, v46  }
0xd8: {  	v49 =	vor.u32 v13, v49;
	[tilespmem:v57+s5+$0x0] =	vst.idx.msk $0xffff, v9;
	v9 =	vperm.xlane v39, v18  }
0xd9: {  	v58 =	vld [tilespmem:$0x1FFC0];
	v56 =	vor.u32 v14, v23;
	v55 =	vor.u32 v10, v63;
	v63 =	vor.u32 v59, v40  }
0xda: {  	v42 =	vshll.u32 v42, $0x4;
	v51 =	vor.u32 v17, v63;
	v3 =	vld.idx.msk [tilespmem:v3+s3+$0x0], $0xffff;
	v9 =	vshll.u32 v9, $0x4  }
0xdb: {  	v48 =	vor.u32 v10, v56;
	v6 =	vor.u32 v14, v25;
	v9 =	vor.u32 v11, v9  }
0xdc: {  	v8 =	vshll.u32 v8, $0x4;
	v42 =	vor.u32 v15, v42;
	v6 =	vor.u32 v10, v6;
	[tilespmem:v41+s5+$0x0] =	vst.idx.msk $0xffff, v60  }
0xdd: {  	[tilespmem:v43+s5+$0x0] =	vst.idx.msk $0xffff, v7;
	v7 =	vor.u32 v13, v8;
	v8 =	vperm.xlane v29, v16  }
0xde: {  	v43 =	vperm.xlane v31, v16;
	v60 =	vor.u32 v58, v40;
	v41 =	vld.idx.msk [tilespmem:v52+s3+$0x0], $0xffff;
	v52 =	vor.u32 v12, v26  }
0xdf: {  	v2 =	vld.idx.msk [tilespmem:v2+s3+$0x0], $0xffff;
	v63 =	vor.u32 v11, v60;
	v60 =	vperm.xlane v39, v20;
	[tilespmem:v51+s5+$0x0] =	vst.idx.msk $0xffff, v3  }
0xe0: {  	v52 =	vor.u32 v13, v52;
	[tilespmem:v55+s5+$0x0] =	vst.idx.msk $0xffff, v4;
	v55 =	vperm.xlane v39, v19;
	v9 =	vld.idx.msk [tilespmem:v9+s3+$0x0], $0xffff  }
0xe1: {  	v44 =	vld.idx.msk [tilespmem:v44+s3+$0x0], $0xffff;
	v4 =	vshll.u32 v53, $0x4;
	v53 =	vor.u32 v12, v25;
	v8 =	vshll.u32 v8, $0x4;
	[tilespmem:v48+s5+$0x0] =	vst.idx.msk $0xffff, v54  }
0xe2: {  	v1 =	vld.idx.msk [tilespmem:v1+s3+$0x0], $0xffff;
	v48 =	vperm.xlane v34, v16;
	v54 =	vor.u32 v12, v23;
	v53 =	vor.u32 v13, v53  }
0xe3: {  	v0 =	vld.idx.msk [tilespmem:v0+s3+$0x0], $0xffff;
	v4 =	vor.u32 v15, v4;
	v8 =	vor.u32 v15, v8;
	v57 =	vperm.xlane v32, v16  }
0xe4: {  	v54 =	vor.u32 v13, v54;
	[tilespmem:v6+s5+$0x0] =	vst.idx.msk $0xffff, v47;
	v7 =	vld.idx.msk [tilespmem:v7+s3+$0x0], $0xffff;
	v3 =	vshll.u32 v55, $0x4  }
0xe5: {  	v47 =	vperm.xlane v33, v16;
	v3 =	vor.u32 v10, v3;
	[tilespmem:v63+s5+$0x0] =	vst.idx.msk $0xffff, v9;
	v63 =	vshll.u32 v57, $0x4;
	v57 =	vld [tilespmem:$0x1FFD0]  }
0xe6: {  	v6 =	vshll.u32 v60, $0x4;
	v48 =	vshll.u32 v48, $0x4;
	v60 =	vperm.xlane v39, v21;
	[tilespmem:v49+s5+$0x0] =	vst.idx.msk $0xffff, v41;
	v5 =	vld.idx.msk [tilespmem:v5+s3+$0x0], $0xffff  }
0xe7: {  	v6 =	vor.u32 v13, v6;
	[tilespmem:v46+s5+$0x0] =	vst.idx.msk $0xffff, v44;
	v46 =	vperm.xlane v29, v62;
	v47 =	vshll.u32 v47, $0x4  }
0xe8: {  	[tilespmem:v50+s5+$0x0] =	vst.idx.msk $0xffff, v1;
	v50 =	vor.u32 v59, v26;
	v41 =	vor.u32 v15, v47;
	v1 =	vld.idx.msk [tilespmem:v8+s3+$0x0], $0xffff  }
0xe9: {  	[tilespmem:v52+s5+$0x0] =	vst.idx.msk $0xffff, v0;
	v0 =	vor.u32 v15, v48;
	v51 =	vor.u32 v12, v24;
	v12 =	vld [tilespmem:$0x1FFF0]  }
0xea: {  	v8 =	vperm.xlane v30, v62;
	v51 =	vor.u32 v13, v51;
	v3 =	vld.idx.msk [tilespmem:v3+s3+$0x0], $0xffff;
	v56 =	vor.u32 v57, v40  }
0xeb: {  	v47 =	vperm.xlane v31, v62;
	v52 =	vor.u32 v61, v26;
	v45 =	vor.u32 v10, v56;
	v56 =	vld [tilespmem:$0x1FFE0]  }
0xec: {  	v48 =	vperm.xlane v34, v62;
	v46 =	vshll.u32 v46, $0x4;
	v52 =	vor.u32 v15, v52  }
0xed: {  	v46 =	vor.u32 v17, v46;
	[tilespmem:v53+s5+$0x0] =	vst.idx.msk $0xffff, v5;
	v5 =	vperm.xlane v33, v62  }
0xee: {  	[tilespmem:v54+s5+$0x0] =	vst.idx.msk $0xffff, v7;
	v54 =	vor.u32 v61, v23;
	v8 =	vshll.u32 v8, $0x4;
	v53 =	vperm.xlane v39, v22  }
0xef: {  	v48 =	vshll.u32 v48, $0x4;
	v5 =	vshll.u32 v5, $0x4;
	v55 =	vor.u32 v12, v40;
	[tilespmem:v51+s5+$0x0] =	vst.idx.msk $0xffff, v2;
	v2 =	vld.idx.msk [tilespmem:v42+s3+$0x0], $0xffff  }
0xf0: {  	v9 =	vshll.u32 v43, $0x4;
	v43 =	vor.u32 v15, v63;
	[tilespmem:v45+s5+$0x0] =	vst.idx.msk $0xffff, v3;
	v63 =	vor.u32 v56, v40  }
0xf1: {  	v3 =	vshll.u32 v60, $0x4;
	v60 =	vor.u32 v61, v37;
	v6 =	vld.idx.msk [tilespmem:v6+s3+$0x0], $0xffff;
	v44 =	vor.u32 v13, v63  }
0xf2: {  	v7 =	vor.u32 v15, v55;
	v55 =	vld [tilespmem:$0x1FFA0];
	v45 =	vperm.xlane v35, v62;
	v60 =	vor.u32 v15, v60  }
0xf3: {  	v5 =	vor.u32 v17, v5;
	v42 =	vperm.xlane v32, v62;
	v9 =	vor.u32 v15, v9  }
0xf4: {  	v4 =	vld.idx.msk [tilespmem:v4+s3+$0x0], $0xffff;
	v3 =	vor.u32 v15, v3;
	v63 =	vor.u32 v61, v24;
	v45 =	vshll.u32 v45, $0x4  }
0xf5: {  	v43 =	vld.idx.msk [tilespmem:v43+s3+$0x0], $0xffff;
	v62 =	vor.u32 v61, v38;
	v63 =	vor.u32 v15, v63;
	v45 =	vor.u32 v17, v45  }
0xf6: {  	[tilespmem:v44+s5+$0x0] =	vst.idx.msk $0xffff, v6;
	v44 =	vor.u32 v61, v36;
	v6 =	vshll.u32 v53, $0x4;
	v53 =	vor.u32 v61, v25  }
0xf7: {  	v42 =	vshll.u32 v42, $0x4;
	v61 =	vor.u32 v15, v62;
	v62 =	vor.u32 v55, v40;
	[tilespmem:v60+s5+$0x0] =	vst.idx.msk $0xffff, v2  }
0xf8: {  	v9 =	vld.idx.msk [tilespmem:v9+s3+$0x0], $0xffff;
	v60 =	vperm.xlane v35, v18;
	v44 =	vor.u32 v15, v44;
	v51 =	vor.u32 v15, v53  }
0xf9: {  	v3 =	vld.idx.msk [tilespmem:v3+s3+$0x0], $0xffff;
	v53 =	vor.u32 v15, v54;
	v54 =	vor.u32 v17, v42;
	v42 =	vor.u32 v17, v48  }
0xfa: {  	v47 =	vshll.u32 v47, $0x4;
	[tilespmem:v63+s5+$0x0] =	vst.idx.msk $0xffff, v43;
	v43 =	vperm.xlane v31, v19;
	v48 =	vperm.xlane v30, v20  }
0xfb: {  	v6 =	vor.u32 v17, v6;
	v49 =	vor.u32 v17, v62;
	v62 =	vperm.xlane v31, v18  }
0xfc: {  	v41 =	vld.idx.msk [tilespmem:v41+s3+$0x0], $0xffff;
	[tilespmem:v52+s5+$0x0] =	vst.idx.msk $0xffff, v4;
	v63 =	vperm.xlane v32, v18;
	v43 =	vshll.u32 v43, $0x4;
	v48 =	vshll.u32 v48, $0x4  }
0xfd: {  	v0 =	vld.idx.msk [tilespmem:v0+s3+$0x0], $0xffff;
	v43 =	vor.u32 v10, v43;
	v48 =	vor.u32 v13, v48;
	[tilespmem:v61+s5+$0x0] =	vst.idx.msk $0xffff, v9  }
0xfe: {  	v60 =	vshll.u32 v60, $0x4;
	v9 =	vor.u32 v28, v40;
	v61 =	vperm.xlane v30, v18;
	[tilespmem:v7+s5+$0x0] =	vst.idx.msk $0xffff, v3  }
0xff: {  	v40 =	vld.idx.msk [tilespmem:v45+s3+$0x0], $0xffff;
	v45 =	vperm.xlane v34, v18;
	v3 =	vperm.xlane v39, v27;
	[tilespmem:v44+s5+$0x0] =	vst.idx.msk $0xffff, v1  }
0x100: {  	v1 =	vor.u32 v17, v8;
	v8 =	vor.u32 v17, v47;
	v9 =	vor.u32 v11, v9  }
0x101: {  	v62 =	vshll.u32 v62, $0x4;
	[tilespmem:v51+s5+$0x0] =	vst.idx.msk $0xffff, v41;
	v41 =	vperm.xlane v33, v18;
	v47 =	vor.u32 v59, v37  }
0x102: {  	[tilespmem:v53+s5+$0x0] =	vst.idx.msk $0xffff, v0;
	v0 =	vor.u32 v59, v38;
	v2 =	vld.idx.msk [tilespmem:v54+s3+$0x0], $0xffff;
	v54 =	vor.u32 v59, v24  }
0x103: {  	v51 =	vor.u32 v59, v23;
	v39 =	vor.u32 v11, v62;
	v44 =	vperm.xlane v32, v19;
	v6 =	vld.idx.msk [tilespmem:v6+s3+$0x0], $0xffff  }
0x104: {  	v62 =	vperm.xlane v34, v19;
	v4 =	vld.idx.msk [tilespmem:v46+s3+$0x0], $0xffff;
	v46 =	vor.u32 v59, v36;
	v61 =	vshll.u32 v61, $0x4  }
0x105: {  	v53 =	vor.u32 v17, v47;
	v45 =	vshll.u32 v45, $0x4;
	v0 =	vor.u32 v17, v0  }
0x106: {  	v54 =	vor.u32 v17, v54;
	v3 =	vshll.u32 v3, $0x4;
	v41 =	vshll.u32 v41, $0x4  }
0x107: {  	v52 =	vor.u32 v17, v46;
	v7 =	vor.u32 v11, v61;
	v45 =	vor.u32 v11, v45  }
0x108: {  	v61 =	vperm.xlane v33, v19;
	v44 =	vshll.u32 v44, $0x4;
	v3 =	vor.u32 v11, v3  }
0x109: {  	v63 =	vshll.u32 v63, $0x4;
	v41 =	vor.u32 v11, v41;
	v44 =	vor.u32 v10, v44;
	[tilespmem:v49+s5+$0x0] =	vst.idx.msk $0xffff, v6  }
0x10a: {  	v1 =	vld.idx.msk [tilespmem:v1+s3+$0x0], $0xffff;
	v6 =	vperm.xlane v29, v18;
	v49 =	vor.u32 v59, v25;
	v59 =	vor.u32 v17, v50  }
0x10b: {  	v8 =	vld.idx.msk [tilespmem:v8+s3+$0x0], $0xffff;
	v50 =	vor.u32 v58, v36;
	[tilespmem:v54+s5+$0x0] =	vst.idx.msk $0xffff, v2;
	v54 =	vor.u32 v58, v24  }
0x10c: {  	v2 =	vperm.xlane v31, v20;
	v47 =	vor.u32 v17, v49;
	v49 =	vor.u32 v17, v51  }
0x10d: {  	v61 =	vshll.u32 v61, $0x4;
	[tilespmem:v52+s5+$0x0] =	vst.idx.msk $0xffff, v4;
	v4 =	vperm.xlane v29, v19;
	v51 =	vperm.xlane v32, v27  }
0x10e: {  	v5 =	vld.idx.msk [tilespmem:v5+s3+$0x0], $0xffff;
	v52 =	vperm.xlane v33, v27;
	v6 =	vshll.u32 v6, $0x4;
	v2 =	vshll.u32 v2, $0x4  }
0x10f: {  	v3 =	vld.idx.msk [tilespmem:v3+s3+$0x0], $0xffff;
	v6 =	vor.u32 v11, v6;
	v2 =	vor.u32 v13, v2;
	[tilespmem:v53+s5+$0x0] =	vst.idx.msk $0xffff, v1  }
0x110: {  	v4 =	vshll.u32 v4, $0x4;
	v1 =	vperm.xlane v30, v19;
	[tilespmem:v0+s5+$0x0] =	vst.idx.msk $0xffff, v8;
	v8 =	vor.u32 v58, v37  }
0x111: {  	v0 =	vshll.u32 v62, $0x4;
	v62 =	vor.u32 v11, v50;
	v4 =	vor.u32 v10, v4;
	[tilespmem:v59+s5+$0x0] =	vst.idx.msk $0xffff, v40  }
0x112: {  	v53 =	vld.idx.msk [tilespmem:v7+s3+$0x0], $0xffff;
	v59 =	vor.u32 v58, v25;
	v8 =	vor.u32 v11, v8;
	v7 =	vor.u32 v11, v54  }
0x113: {  	v54 =	vperm.xlane v35, v20;
	v0 =	vor.u32 v10, v0;
	[tilespmem:v47+s5+$0x0] =	vst.idx.msk $0xffff, v5;
	v1 =	vshll.u32 v1, $0x4  }
0x114: {  	v5 =	vor.u32 v11, v59;
	v47 =	vor.u32 v10, v61;
	[tilespmem:v9+s5+$0x0] =	vst.idx.msk $0xffff, v3;
	v9 =	vld.idx.msk [tilespmem:v42+s3+$0x0], $0xffff  }
0x115: {  	v59 =	vor.u32 v57, v37;
	v3 =	vor.u32 v11, v60;
	v60 =	vperm.xlane v35, v19;
	v41 =	vld.idx.msk [tilespmem:v41+s3+$0x0], $0xffff  }
0x116: {  	v61 =	vor.u32 v57, v24;
	v42 =	vor.u32 v11, v63;
	v63 =	vor.u32 v58, v38;
	v6 =	vld.idx.msk [tilespmem:v6+s3+$0x0], $0xffff  }
0x117: {  	v39 =	vld.idx.msk [tilespmem:v39+s3+$0x0], $0xffff;
	v63 =	vor.u32 v11, v63;
	v40 =	vshll.u32 v60, $0x4;
	v60 =	vor.u32 v58, v26  }
0x118: {  	v1 =	vor.u32 v10, v1;
	v46 =	vor.u32 v11, v60;
	[tilespmem:v8+s5+$0x0] =	vst.idx.msk $0xffff, v53  }
0x119: {  	v40 =	vor.u32 v10, v40;
	v8 =	vperm.xlane v32, v20;
	[tilespmem:v49+s5+$0x0] =	vst.idx.msk $0xffff, v9  }
0x11a: {  	v50 =	vshll.u32 v54, $0x4;
	v60 =	vor.u32 v57, v38;
	v53 =	vor.u32 v57, v26;
	[tilespmem:v5+s5+$0x0] =	vst.idx.msk $0xffff, v41  }
0x11b: {  	v3 =	vld.idx.msk [tilespmem:v3+s3+$0x0], $0xffff;
	v9 =	vor.u32 v58, v23;
	v58 =	vor.u32 v57, v36;
	[tilespmem:v62+s5+$0x0] =	vst.idx.msk $0xffff, v6  }
0x11c: {  	v8 =	vshll.u32 v8, $0x4;
	v9 =	vor.u32 v11, v9;
	v6 =	vperm.xlane v29, v20;
	[tilespmem:v63+s5+$0x0] =	vst.idx.msk $0xffff, v39  }
0x11d: {  	v42 =	vld.idx.msk [tilespmem:v42+s3+$0x0], $0xffff;
	v62 =	vor.u32 v57, v25;
	v63 =	vor.u32 v57, v23;
	v54 =	vor.u32 v10, v58  }
0x11e: {  	v57 =	vor.u32 v10, v59;
	v39 =	vor.u32 v10, v60;
	v58 =	vor.u32 v13, v50  }
0x11f: {  	v1 =	vld.idx.msk [tilespmem:v1+s3+$0x0], $0xffff;
	v8 =	vor.u32 v13, v8;
	v59 =	vperm.xlane v35, v21;
	v60 =	vperm.xlane v31, v21  }
0x120: {  	v45 =	vld.idx.msk [tilespmem:v45+s3+$0x0], $0xffff;
	v50 =	vor.u32 v56, v36;
	v5 =	vor.u32 v10, v62;
	v41 =	vor.u32 v10, v63  }
0x121: {  	v62 =	vperm.xlane v34, v21;
	v63 =	vor.u32 v56, v38;
	[tilespmem:v46+s5+$0x0] =	vst.idx.msk $0xffff, v3;
	v3 =	vld.idx.msk [tilespmem:v4+s3+$0x0], $0xffff  }
0x122: {  	v6 =	vshll.u32 v6, $0x4;
	v63 =	vor.u32 v13, v63;
	[tilespmem:v7+s5+$0x0] =	vst.idx.msk $0xffff, v42;
	v42 =	vld.idx.msk [tilespmem:v43+s3+$0x0], $0xffff  }
0x123: {  	v6 =	vor.u32 v13, v6;
	v4 =	vperm.xlane v33, v20;
	v46 =	vperm.xlane v34, v20;
	v40 =	vld.idx.msk [tilespmem:v40+s3+$0x0], $0xffff  }
0x124: {  	v7 =	vor.u32 v10, v61;
	v43 =	vor.u32 v10, v53;
	v61 =	vperm.xlane v33, v21;
	v44 =	vld.idx.msk [tilespmem:v44+s3+$0x0], $0xffff  }
0x125: {  	[tilespmem:v57+s5+$0x0] =	vst.idx.msk $0xffff, v1;
	v1 =	vperm.xlane v30, v21;
	v57 =	vor.u32 v56, v24;
	v4 =	vshll.u32 v4, $0x4  }
0x126: {  	[tilespmem:v9+s5+$0x0] =	vst.idx.msk $0xffff, v45;
	v9 =	vld.idx.msk [tilespmem:v47+s3+$0x0], $0xffff;
	v46 =	vshll.u32 v46, $0x4;
	v61 =	vshll.u32 v61, $0x4;
	v4 =	vor.u32 v13, v4  }
0x127: {  	v46 =	vor.u32 v13, v46;
	v1 =	vshll.u32 v1, $0x4;
	v45 =	vor.u32 v15, v61;
	[tilespmem:v54+s5+$0x0] =	vst.idx.msk $0xffff, v3  }
0x128: {  	v61 =	vor.u32 v12, v37;
	v1 =	vor.u32 v15, v1;
	[tilespmem:v39+s5+$0x0] =	vst.idx.msk $0xffff, v42  }
0x129: {  	v0 =	vld.idx.msk [tilespmem:v0+s3+$0x0], $0xffff;
	v3 =	vperm.xlane v29, v21;
	v54 =	vor.u32 v56, v37;
	[tilespmem:v43+s5+$0x0] =	vst.idx.msk $0xffff, v40  }
0x12a: {  	v39 =	vshll.u32 v62, $0x4;
	v62 =	vor.u32 v13, v50;
	v43 =	vperm.xlane v32, v21;
	[tilespmem:v7+s5+$0x0] =	vst.idx.msk $0xffff, v44  }
0x12b: {  	v40 =	vshll.u32 v59, $0x4;
	[tilespmem:v5+s5+$0x0] =	vst.idx.msk $0xffff, v9;
	v9 =	vor.u32 v56, v26;
	v59 =	vor.u32 v56, v23  }
0x12c: {  	v42 =	vor.u32 v13, v54;
	v44 =	vor.u32 v13, v57;
	v54 =	vperm.xlane v35, v22  }
0x12d: {  	v39 =	vor.u32 v15, v39;
	v57 =	vperm.xlane v30, v22;
	v35 =	vperm.xlane v35, v27  }
0x12e: {  	v60 =	vshll.u32 v60, $0x4;
	v49 =	vld.idx.msk [tilespmem:v58+s3+$0x0], $0xffff;
	v58 =	vor.u32 v56, v25;
	[tilespmem:v41+s5+$0x0] =	vst.idx.msk $0xffff, v0;
	v3 =	vshll.u32 v3, $0x4  }
0x12f: {  	v6 =	vld.idx.msk [tilespmem:v6+s3+$0x0], $0xffff;
	v0 =	vor.u32 v13, v59;
	v9 =	vor.u32 v13, v9;
	v40 =	vor.u32 v15, v40  }
0x130: {  	v53 =	vld.idx.msk [tilespmem:v48+s3+$0x0], $0xffff;
	v41 =	vor.u32 v15, v60;
	v56 =	vperm.xlane v29, v22;
	v59 =	vperm.xlane v32, v22  }
0x131: {  	v2 =	vld.idx.msk [tilespmem:v2+s3+$0x0], $0xffff;
	v60 =	vor.u32 v12, v36;
	v43 =	vshll.u32 v43, $0x4;
	v5 =	vor.u32 v13, v58  }
0x132: {  	v3 =	vor.u32 v15, v3;
	v50 =	vshll.u32 v54, $0x4;
	v58 =	vperm.xlane v31, v22  }
0x133: {  	v8 =	vld.idx.msk [tilespmem:v8+s3+$0x0], $0xffff;
	v54 =	vor.u32 v12, v26;
	v47 =	vshll.u32 v57, $0x4;
	v43 =	vor.u32 v15, v43  }
0x134: {  	v57 =	vshll.u32 v59, $0x4;
	v59 =	vor.u32 v15, v61;
	v61 =	vor.u32 v17, v50;
	[tilespmem:v62+s5+$0x0] =	vst.idx.msk $0xffff, v6  }
0x135: {  	v47 =	vor.u32 v17, v47;
	v50 =	vperm.xlane v31, v27;
	[tilespmem:v42+s5+$0x0] =	vst.idx.msk $0xffff, v53  }
0x136: {  	v4 =	vld.idx.msk [tilespmem:v4+s3+$0x0], $0xffff;
	v7 =	vor.u32 v17, v57;
	v57 =	vor.u32 v55, v38;
	[tilespmem:v63+s5+$0x0] =	vst.idx.msk $0xffff, v2  }
0x137: {  	v46 =	vld.idx.msk [tilespmem:v46+s3+$0x0], $0xffff;
	v62 =	vor.u32 v12, v38;
	v63 =	vor.u32 v12, v25;
	v53 =	vor.u32 v12, v23  }
0x138: {  	v6 =	vshll.u32 v56, $0x4;
	v56 =	vshll.u32 v58, $0x4;
	v58 =	vor.u32 v15, v60;
	[tilespmem:v9+s5+$0x0] =	vst.idx.msk $0xffff, v49  }
0x139: {  	v9 =	vperm.xlane v33, v22;
	v49 =	vperm.xlane v34, v22;
	[tilespmem:v44+s5+$0x0] =	vst.idx.msk $0xffff, v8  }
0x13a: {  	v8 =	vor.u32 v12, v24;
	v2 =	vor.u32 v15, v62;
	v44 =	vor.u32 v15, v54  }
0x13b: {  	v1 =	vld.idx.msk [tilespmem:v1+s3+$0x0], $0xffff;
	v6 =	vor.u32 v17, v6;
	v62 =	vperm.xlane v29, v27;
	[tilespmem:v5+s5+$0x0] =	vst.idx.msk $0xffff, v4  }
0x13c: {  	v41 =	vld.idx.msk [tilespmem:v41+s3+$0x0], $0xffff;
	v54 =	vperm.xlane v34, v27;
	[tilespmem:v0+s5+$0x0] =	vst.idx.msk $0xffff, v46;
	v8 =	vor.u32 v15, v8  }
0x13d: {  	v3 =	vld.idx.msk [tilespmem:v3+s3+$0x0], $0xffff;
	v4 =	vor.u32 v15, v63;
	v5 =	vor.u32 v15, v53;
	v0 =	vor.u32 v17, v56  }
0x13e: {  	v40 =	vld.idx.msk [tilespmem:v40+s3+$0x0], $0xffff;
	v63 =	vperm.xlane v30, v27;
	v53 =	vor.u32 v55, v36;
	v9 =	vshll.u32 v9, $0x4  }
0x13f: {  	v56 =	vor.u32 v55, v37;
	v43 =	vld.idx.msk [tilespmem:v43+s3+$0x0], $0xffff;
	v60 =	vshll.u32 v49, $0x4;
	v9 =	vor.u32 v17, v9  }
0x140: {  	v42 =	vld.idx.msk [tilespmem:v45+s3+$0x0], $0xffff;
	v48 =	vor.u32 v17, v60;
	v60 =	vor.u32 v55, v23;
	[tilespmem:v59+s5+$0x0] =	vst.idx.msk $0xffff, v1  }
0x141: {  	v39 =	vld.idx.msk [tilespmem:v39+s3+$0x0], $0xffff;
	v34 =	vor.u32 v17, v60;
	[tilespmem:v2+s5+$0x0] =	vst.idx.msk $0xffff, v41;
	v59 =	vor.u32 v55, v26  }
0x142: {  	v1 =	vshll.u32 v63, $0x4;
	v63 =	vor.u32 v17, v53;
	v53 =	vor.u32 v28, v37;
	[tilespmem:v58+s5+$0x0] =	vst.idx.msk $0xffff, v3  }
0x143: {  	v2 =	vshll.u32 v54, $0x4;
	[tilespmem:v44+s5+$0x0] =	vst.idx.msk $0xffff, v40;
	v40 =	vshll.u32 v35, $0x4;
	v29 =	vld.idx.msk [tilespmem:v47+s3+$0x0], $0xffff;
	v58 =	vor.u32 v55, v25  }
0x144: {  	s6 =	sadd.s32 $0x8, s6;
	v3 =	vshll.u32 v62, $0x4;
	v62 =	vshll.u32 v51, $0x4;
	v44 =	vor.u32 v17, v56;
	v30 =	vld.idx.msk [tilespmem:v61+s3+$0x0], $0xffff;
	[tilespmem:v8+s5+$0x0] =	vst.idx.msk $0xffff, v43  }
0x145: {  	p0 =	slt.u32 s6, $0x38;
	v51 =	vor.u32 v17, v59;
	v47 =	vor.u32 v11, v1;
	v6 =	vld.idx.msk [tilespmem:v6+s3+$0x0], $0xffff;
	[tilespmem:v4+s5+$0x0] =	vst.idx.msk $0xffff, v42  }
.Ltmp0:
0x146: {  	v8 =	vor.u32 v55, v24;
	[tilespmem:v5+s5+$0x0] =	vst.idx.msk $0xffff, v39;
	v61 =	vshll.u32 v50, $0x4;
	v43 =	vor.u32 v17, v57;
	(pc) =	sbr.rel @p0 .LBB2_1-.Ltmp0, $4  }
0x147: {  	v31 =	vld.idx.msk [tilespmem:v0+s3+$0x0], $0xffff;
	v35 =	vor.u32 v17, v58;
	v49 =	vor.u32 v11, v40;
	v46 =	vor.u32 v11, v62  }
0x148: {  	v42 =	vor.u32 v11, v2;
	v33 =	vld.idx.msk [tilespmem:v9+s3+$0x0], $0xffff;
	v9 =	vshll.u32 v52, $0x4;
	v41 =	vor.u32 v17, v8  }
0x149: {  	v50 =	vld.idx.msk [tilespmem:v48+s3+$0x0], $0xffff;
	v48 =	vor.u32 v11, v3;
	v40 =	vor.u32 v11, v61;
	v52 =	vor.u32 v28, v36  }
0x14a: {  	s7 =	sadd.s32 $0x80, s7;
	v32 =	vld.idx.msk [tilespmem:v7+s3+$0x0], $0xffff;
	v36 =	vor.u32 v28, v38;
	v45 =	vor.u32 v11, v9;
	[tilespmem:v63+s5+$0x0] =	vst.idx.msk $0xffff, v6  }
0x14b: {  	_ =	sdelay $0x3  }
0x14c: {  	[tilespmem:v51+s5+$0x0] =	vst.idx.msk $0xffff, v30  }
0x14d: {  	v0 =	vor.u32 v28, v26;
	[tilespmem:v44+s5+$0x0] =	vst.idx.msk $0xffff, v29;
	v2 =	vor.u32 v11, v52;
	v3 =	vld.idx.msk [tilespmem:v48+s3+$0x0], $0xffff  }
0x14e: {  	v0 =	vor.u32 v11, v0;
	v1 =	vld.idx.msk [tilespmem:v49+s3+$0x0], $0xffff;
	[tilespmem:v43+s5+$0x0] =	vst.idx.msk $0xffff, v31  }
0x14f: {  	v4 =	vor.u32 v11, v53;
	v5 =	vld.idx.msk [tilespmem:v47+s3+$0x0], $0xffff;
	[tilespmem:v35+s5+$0x0] =	vst.idx.msk $0xffff, v33  }
0x150: {  	v7 =	vor.u32 v11, v36;
	v9 =	vor.u32 v28, v25;
	v8 =	vld.idx.msk [tilespmem:v40+s3+$0x0], $0xffff;
	[tilespmem:v34+s5+$0x0] =	vst.idx.msk $0xffff, v50  }
0x151: {  	v12 =	vor.u32 v28, v23;
	v9 =	vor.u32 v11, v9;
	v61 =	vld.idx.msk [tilespmem:v45+s3+$0x0], $0xffff;
	[tilespmem:v41+s5+$0x0] =	vst.idx.msk $0xffff, v32  }
0x152: {  	v6 =	vor.u32 v28, v24;
	v62 =	vor.u32 v11, v12;
	v63 =	vld.idx.msk [tilespmem:v42+s3+$0x0], $0xffff;
	[tilespmem:v2+s5+$0x0] =	vst.idx.msk $0xffff, v3  }
0x153: {  	v6 =	vor.u32 v11, v6;
	v10 =	vld.idx.msk [tilespmem:v46+s3+$0x0], $0xffff;
	[tilespmem:v0+s5+$0x0] =	vst.idx.msk $0xffff, v1  }
0x154: {  	[tilespmem:v4+s5+$0x0] =	vst.idx.msk $0xffff, v5  }
0x155: {  	[tilespmem:v7+s5+$0x0] =	vst.idx.msk $0xffff, v8  }
0x156: {  	[tilespmem:v9+s5+$0x0] =	vst.idx.msk $0xffff, v61  }
0x157: {  	s29 =	sshll.u32 s1, $0xB;
	s30 =	simm.s32 $0x0;
	[tilespmem:v62+s5+$0x0] =	vst.idx.msk $0xffff, v63  }
0x158: {  	s4 =	simm.s32 $0x510;
	s31 =	simm.s32 $0x2;
	s2 =	sadd.s32 s2, s29;
	[tilespmem:v6+s5+$0x0] =	vst.idx.msk $0xffff, v10  }
0x159: {  	[hbm4b:s2+s30] =	stream.linear.scatter [tilespmem:s4], [sflag:$0x2], $0x4000, $0x38;
	[tilespmem:$0x4510] =	vst v63  }
0x15a: {  	_ =	swait.ge [sflag:s31], $0x4000  }
0x15b: {  	[sflag:s31] =	ssyncset.done $0x0  }
0x15c: {  	[sflag:s31] =	ssyncadd.s32 $0xFFFFC000  }
0x15d: {  	_ =	sfence.sel $0x180000  }
0x15e: {  	[bflag:$0x0] =	sbarrier.arrive $0xFFFF  }
0x15f: {  	p0 =	sne.s32 s1, $0x0;
	_ =	strace $0x90000047  }
0x160: {  	s0 =	sadd.s32 @!p0 $0x100000, s0;
	[bflag:$0x2] =	sbarrier.arrive $0xFFFF  }
0x161: {  	[sflag:s0] =	ssyncadd.tile.s32 @!p0 $0x1;
	_ =	shalt  }
.Lfunc_end2:
_tile_overlayer_lowered:
.L_overlay_start_2:
0x162: {  	(tag) =	ssettag $0x2  }
0x163: {  	s0 =	rddreg [dreg:$0x0];
	s2 =	stileid.u32  }
0x164: {  	s1 =	rddreg [dreg:$0x1];
	p0 =	sne.s32 s2, $0x0  }
0x165: {  	s3 =	rddreg [dreg:$0x2];
	[bflag:$0x3] =	sbarrier.arrive $0xFFFF;
	s2 =	simm.s32 @!p0 $0x1C03  }
0x166: {  	[timem:s3], [sflag:s2] =	dma.local @!p0 [hbm:s0], s1  }
0x167: {  	s0 =	simm.s32 @!p0 $0x3  }
0x168: {  	_ =	swait.ge @!p0 [sflag:s0], s1  }
0x169: {  	s1 =	ssub.s32 @!p0 $0x0, s1;
	[sflag:s0] =	ssyncset.done @!p0 $0x0  }
0x16a: {  	[sflag:s0] =	ssyncadd.s32 @!p0 s1  }
0x16b: {  	[bflag:$0x3] =	sbarrier.arrive $0xFFFF  }
0x16c: {  	_ =	shalt  }

</sc_bundles>
